<compile_context>
chip_gen: v7x
topology: tpu7x:2x2x1
jax: 0.10.2.dev20260603
libtpu: 0.0.44.dev20260713+nightly
codegen_flags: <defaults>
</compile_context>

<pallas_src>
import functools

import jax
import jax.numpy as jnp
from jax import lax
from jax.experimental import pallas as pl
from jax.experimental.pallas import tpu as pltpu
from jax.experimental.pallas import tpu_sc as plsc

_N = 10000
_D = 128
_E = 320000
_NPAD = 10240
_NC = 2
_NS = 16
_NW = _NC * _NS
_K = 128
_NCHUNK = 80
_EPW = _NCHUNK * _K
_EPAD = _EPW * _NW
_GCH = 40
_NGRP = _NCHUNK // _GCH
_RB = 256
_GRID = _NPAD // _RB
_RPT = _NPAD // _NS

_MESH = plsc.VectorSubcoreMesh(core_axis_name="c", subcore_axis_name="s")


@functools.partial(
    pl.kernel,
    out_type=jax.ShapeDtypeStruct((_NC, _NPAD, _D), jnp.float32),
    mesh=_MESH,
    scratch_types=[
        pltpu.VMEM((_GCH, _K), jnp.int32),
        pltpu.VMEM((_GCH, _K), jnp.int32),
        pltpu.VMEM((_GCH, _K), jnp.int32),
        pltpu.VMEM((_K, _D), jnp.float32),
        pltpu.VMEM((_K, _D), jnp.float32),
        pltpu.SemaphoreType.DMA,
        pltpu.SemaphoreType.DMA,
        pltpu.VMEM_SHARED((_NPAD, _D), jnp.float32),
    ],
)
def _seg_sum(feat_hbm, src_hbm, dst_hbm, out_hbm,
             sidx, didx0, didx1, r0b, r1b, s0, s1, acc_sh):
    c = lax.axis_index("c")
    s = lax.axis_index("s")
    wid = s * _NC + c
    rr0 = s * _RPT

    def zrow_body(i, carry):
        r0b[i // 8, pl.ds((i % 8) * 16, 16)] = jnp.zeros((16,), jnp.float32)
        return carry

    lax.fori_loop(0, _K * 8, zrow_body, 0)
    for j in range(_RPT // _K):
        pltpu.sync_copy(r0b, acc_sh.at[pl.ds(rr0 + j * _K, _K)])
    plsc.subcore_barrier()

    rows = (r0b, r1b)
    ssem = (s0, s1)
    didxs = (didx0, didx1)

    for grp in range(_NGRP):
        di = didxs[grp % 2]
        pltpu.sync_copy(src_hbm.at[wid, grp], sidx)
        pltpu.sync_copy(dst_hbm.at[wid, grp], di)

        def body(p, carry, di=di, first=(grp == 0)):
            i0 = p * 2
            for b in range(2):
                wait = pltpu.make_async_copy(
                    rows[b], acc_sh.at[di.at[i0 + b]], ssem[b]).wait
                if first:
                    pl.when(p > 0)(wait)
                else:
                    wait()
                pltpu.sync_copy(feat_hbm.at[sidx.at[i0 + b]], rows[b])
                pltpu.async_copy(rows[b], acc_sh.at[di.at[i0 + b]],
                                 ssem[b], add=True)
            return carry

        lax.fori_loop(0, _GCH // 2, body, 0)

    dlast = didxs[(_NGRP - 1) % 2]
    for b in range(2):
        pltpu.make_async_copy(
            rows[b], acc_sh.at[dlast.at[_GCH - 2 + b]], ssem[b]).wait()
    plsc.subcore_barrier()
    pltpu.sync_copy(acc_sh.at[pl.ds(rr0, _RPT)], out_hbm.at[c, pl.ds(rr0, _RPT)])


def _any_body(m_ref, o_ref):
    o_ref[...] = jnp.max(m_ref[...])[None, None]


_HR = 16
_HG = _EPAD // _K // _HR


def _hist_body(d_ref, o_ref):
    i = pl.program_id(0)

    @pl.when(i == 0)
    def _():
        o_ref[...] = jnp.zeros_like(o_ref)

    iota = lax.broadcasted_iota(jnp.int32, (_K, _K), 0)
    acc = jnp.zeros((_K, _K), jnp.float32)
    for r in range(_HR):
        d = d_ref[pl.ds(r, 1), :]
        hi = jnp.broadcast_to(d >> 7, (_K, _K))
        lo = jnp.broadcast_to(d & 127, (_K, _K))
        ah = (hi == iota).astype(jnp.bfloat16)
        al = (lo == iota).astype(jnp.bfloat16)
        acc += lax.dot_general(ah, al, (((1,), (1,)), ((), ())),
                               preferred_element_type=jnp.float32)
    o_ref[...] += acc


def _prep_body(x_ref, fm_ref, o_ref):
    o_ref[...] = jnp.where(fm_ref[...] > 0.0, 0.0, x_ref[...])


def _layer1_body(xz_ref, p_ref, c_ref, agg_ref, tm_ref, use_ref,
                 ws_ref, wn_ref, b_ref, h_ref, cnt_ref):
    ssum = p_ref[0] + p_ref[1]
    cntc = jnp.maximum(c_ref[...], 1.0)
    mean = ssum / cntc
    h = jnp.dot(xz_ref[...], ws_ref[...], preferred_element_type=jnp.float32)
    h += jnp.dot(mean, wn_ref[...], preferred_element_type=jnp.float32)
    h += b_ref[...]
    pre = jnp.dot(agg_ref[...], wn_ref[...], preferred_element_type=jnp.float32)
    pre += b_ref[...]
    cond = jnp.logical_and(tm_ref[...] > 0.0, use_ref[0, 0] > 0.0)
    h = jnp.where(cond, pre, h)
    h_ref[...] = jnp.maximum(h, 0.0)
    cnt_ref[...] = cntc


def _layer2_body(h_ref, p_ref, cnt_ref, ws_ref, wn_ref, b_ref, o_ref):
    mean = (p_ref[0] + p_ref[1]) / cnt_ref[...]
    o = jnp.dot(h_ref[...], ws_ref[...], preferred_element_type=jnp.float32)
    o += jnp.dot(mean, wn_ref[...], preferred_element_type=jnp.float32)
    o_ref[...] = o + b_ref[...]


def kernel(x, edge_index, frontier_mask, aggregated_neighbors, target_mask,
           W1_self, W1_neigh, b1, W2_self, W2_neigh, b2):
    f32 = jnp.float32
    npd = _NPAD - _N
    x_p = jnp.pad(x, ((0, npd), (0, 0)))
    agg_p = jnp.pad(aggregated_neighbors, ((0, npd), (0, 0)))
    fm = jnp.pad(frontier_mask.astype(f32), (0, npd))
    tm = jnp.pad(target_mask.astype(f32), (0, npd))
    fm_col = fm.reshape(_NPAD, 1)
    tm_col = tm.reshape(_NPAD, 1)
    fm2d = fm.reshape(_NPAD // 128, 128)
    src = jnp.pad(edge_index[0], (0, _EPAD - _E)).reshape(_NW, _NGRP, _GCH, _K)
    dst_flat = jnp.pad(edge_index[1], (0, _EPAD - _E), constant_values=_N)
    dst = dst_flat.reshape(_NW, _NGRP, _GCH, _K)
    b1r = b1.reshape(1, _D)
    b2r = b2.reshape(1, _D)
    use = pl.pallas_call(
        _any_body,
        out_shape=jax.ShapeDtypeStruct((1, 1), f32),
    )(fm2d)

    xz = pl.pallas_call(
        _prep_body,
        grid=(_GRID,),
        in_specs=[pl.BlockSpec((_RB, _D), lambda i: (i, 0)),
                  pl.BlockSpec((_RB, 1), lambda i: (i, 0))],
        out_specs=pl.BlockSpec((_RB, _D), lambda i: (i, 0)),
        out_shape=jax.ShapeDtypeStruct((_NPAD, _D), f32),
    )(x_p, fm_col)

    hist = pl.pallas_call(
        _hist_body,
        grid=(_HG,),
        in_specs=[pl.BlockSpec((_HR, _K), lambda i: (i, 0))],
        out_specs=pl.BlockSpec((_K, _K), lambda i: (0, 0)),
        out_shape=jax.ShapeDtypeStruct((_K, _K), f32),
    )(dst_flat.reshape(_EPAD // _K, _K))
    cnt_col = hist.reshape(-1)[:_NPAD].reshape(_NPAD, 1)

    part1 = _seg_sum(xz, src, dst)

    h1, cnt = pl.pallas_call(
        _layer1_body,
        grid=(_GRID,),
        in_specs=[
            pl.BlockSpec((_RB, _D), lambda i: (i, 0)),
            pl.BlockSpec((2, _RB, _D), lambda i: (0, i, 0)),
            pl.BlockSpec((_RB, 1), lambda i: (i, 0)),
            pl.BlockSpec((_RB, _D), lambda i: (i, 0)),
            pl.BlockSpec((_RB, 1), lambda i: (i, 0)),
            pl.BlockSpec((1, 1), lambda i: (0, 0)),
            pl.BlockSpec((_D, _D), lambda i: (0, 0)),
            pl.BlockSpec((_D, _D), lambda i: (0, 0)),
            pl.BlockSpec((1, _D), lambda i: (0, 0)),
        ],
        out_specs=[pl.BlockSpec((_RB, _D), lambda i: (i, 0)),
                   pl.BlockSpec((_RB, 1), lambda i: (i, 0))],
        out_shape=[jax.ShapeDtypeStruct((_NPAD, _D), f32),
                   jax.ShapeDtypeStruct((_NPAD, 1), f32)],
    )(xz, part1, cnt_col, agg_p, tm_col, use, W1_self, W1_neigh, b1r)

    part2 = _seg_sum(h1, src, dst)

    out = pl.pallas_call(
        _layer2_body,
        grid=(_GRID,),
        in_specs=[
            pl.BlockSpec((_RB, _D), lambda i: (i, 0)),
            pl.BlockSpec((2, _RB, _D), lambda i: (0, i, 0)),
            pl.BlockSpec((_RB, 1), lambda i: (i, 0)),
            pl.BlockSpec((_D, _D), lambda i: (0, 0)),
            pl.BlockSpec((_D, _D), lambda i: (0, 0)),
            pl.BlockSpec((1, _D), lambda i: (0, 0)),
        ],
        out_specs=pl.BlockSpec((_RB, _D), lambda i: (i, 0)),
        out_shape=jax.ShapeDtypeStruct((_NPAD, _D), f32),
    )(h1, part2, cnt, W2_self, W2_neigh, b2r)

    return out[:_N]

# --- scband reference (transcript-rebuilt; emitter-appended) ---
"""Pipeline reference for scband-hybrid-agg-model-67379446940364 (READ-ONLY COPY).

The authoritative reference and input builder live on the scoring server;
editing this copy changes nothing except your own understanding.
"""

import jax, jax.numpy as jnp
import numpy as np

N = 10000
E = 320000
D = 128


def _sage_conv(x, src, dst, W_self, W_neigh, b):
    # GraphSAGE mean aggregation: gather messages from src, scatter-add to dst, mean-normalize
    msgs = jnp.take(x, src, axis=0)
    summed = jax.ops.segment_sum(msgs, dst, num_segments=N)
    cnt = jax.ops.segment_sum(jnp.ones((src.shape[0],), dtype=x.dtype), dst, num_segments=N)
    mean = summed / jnp.clip(cnt, 1.0)[:, None]
    return x @ W_self + mean @ W_neigh + b


def setup_inputs(seed: int = 0) -> dict:
    key = jax.random.key(seed)
    ks = jax.random.split(key, 12)
    x = jax.random.normal(ks[0], (N, D), dtype=jnp.float32)
    edge_index = jax.random.randint(ks[1], (2, E), 0, N, dtype=jnp.int32)
    frontier_mask = jax.random.randint(ks[2], (N,), 0, 2, dtype=jnp.int32).astype(bool)
    aggregated_neighbors = jax.random.normal(ks[3], (N, D), dtype=jnp.float32)
    target_mask = jax.random.randint(ks[4], (N,), 0, 2, dtype=jnp.int32).astype(bool)
    s = 0.05
    W1_self = jax.random.normal(ks[5], (D, D), dtype=jnp.float32) * s
    W1_neigh = jax.random.normal(ks[6], (D, D), dtype=jnp.float32) * s
    b1 = jnp.zeros((D,), dtype=jnp.float32)
    W2_self = jax.random.normal(ks[7], (D, D), dtype=jnp.float32) * s
    W2_neigh = jax.random.normal(ks[8], (D, D), dtype=jnp.float32) * s
    b2 = jnp.zeros((D,), dtype=jnp.float32)
    return {"x": x, "edge_index": edge_index, "frontier_mask": frontier_mask,
            "aggregated_neighbors": aggregated_neighbors, "target_mask": target_mask,
            "W1_self": W1_self, "W1_neigh": W1_neigh, "b1": b1,
            "W2_self": W2_self, "W2_neigh": W2_neigh, "b2": b2}


def reference(x, edge_index, frontier_mask, aggregated_neighbors, target_mask,
              W1_self, W1_neigh, b1, W2_self, W2_neigh, b2):
    src = edge_index[0]
    dst = edge_index[1]
    # Static conjuncts of the predicate (do not depend on traced values):
    static_ok = (frontier_mask is not None) and (aggregated_neighbors is not None) \
        and (frontier_mask.size > 0)
    use_hybrid = jnp.logical_and(static_ok, jnp.any(frontier_mask))

    def _plain(_):
        h = _sage_conv(x, src, dst, W1_self, W1_neigh, b1)
        h = jax.nn.relu(h)
        return _sage_conv(h, src, dst, W2_self, W2_neigh, b2)

    def _hybrid(_):
        # target_mask default per original: rows of aggregated_neighbors with nonzero abs-sum
        tm = target_mask if target_mask is not None else (jnp.abs(aggregated_neighbors).sum(axis=1) > 0)
        # zero out raw features at frontier nodes (x = x.clone(); x[frontier_mask] = 0)
        xz = jnp.where(frontier_mask[:, None], jnp.zeros_like(x), x)
        h1 = _sage_conv(xz, src, dst, W1_self, W1_neigh, b1)
        # forward hook: replace first-layer output at target nodes with apply_preagg(agg)
        # adapter.apply_preagg applies the neighbor transform of the first SAGE layer
        preagg = aggregated_neighbors @ W1_neigh + b1
        h1 = jnp.where(tm[:, None], preagg, h1)
        h1 = jax.nn.relu(h1)
        return _sage_conv(h1, src, dst, W2_self, W2_neigh, b2)

    return jax.lax.cond(use_hybrid, _hybrid, _plain, operand=None)

if __name__ == "__main__":
    import jax
    _d = setup_inputs()
    print(jax.jit(kernel)(*tuple(_d.values())))

</pallas_src>

<mosaic_0001>
#map = affine_map<(d0, d1) -> (0, 0)>
#map1 = affine_map<(d0, d1) -> (0, 0, 0, 0)>
#map2 = affine_map<(d0, d1) -> (0, 0, 0)>
module attributes {stable_mosaic.version = 14 : i64} {
  func.func @_seg_sum(%arg0: i32, %arg1: i32, %arg2: memref<10240x128xf32, #tpu.memory_space<hbm>>, %arg3: memref<32x2x40x128xi32, #tpu.memory_space<hbm>>, %arg4: memref<32x2x40x128xi32, #tpu.memory_space<hbm>>, %arg5: memref<2x10240x128xf32, #tpu.memory_space<hbm>>, %arg6: memref<40x128xi32, #tpu.memory_space<vmem>>, %arg7: memref<40x128xi32, #tpu.memory_space<vmem>>, %arg8: memref<40x128xi32, #tpu.memory_space<vmem>>, %arg9: memref<128x128xf32, #tpu.memory_space<vmem>>, %arg10: memref<128x128xf32, #tpu.memory_space<vmem>>, %arg11: memref<!tpu.dma_semaphore, #tpu.memory_space<semaphore_mem>>, %arg12: memref<!tpu.dma_semaphore, #tpu.memory_space<semaphore_mem>>, %arg13: memref<10240x128xf32, #tpu.memory_space<vmem_shared>>) attributes {dimension_semantics = [#tpu.dimension_semantics<core_parallel>, #tpu.dimension_semantics<subcore_parallel>], iteration_bounds = array<i64: 2, 16>, scalar_prefetch = 0 : i64, scratch_operands = 8 : i64, tpu.core_type = #tpu.core_type<sc_vector_subcore>, window_params = [{transform_indices = #map}, {transform_indices = #map1}, {transform_indices = #map1}, {transform_indices = #map2}]} {
    %mul3A = arith.constant 2 : i32
    %mul3A_0 = arith.muli %arg1, %mul3A : i32
    %add3A = arith.addi %mul3A_0, %arg0 : i32
    %mul3A_1 = arith.constant 640 : i32
    %mul3A_2 = arith.muli %arg1, %mul3A_1 : i32
    %scan3A = arith.constant 0 : i32
    %scan3A_3 = arith.constant 0 : i32
    %scan3A_4 = arith.constant 1024 : i32
    %scan3A_5 = arith.addi %scan3A_3, %scan3A_4 : i32
    %scan3A_6 = arith.constant 1 : i32
    scf.for %scan3A_47 = %scan3A_3 to %scan3A_5 step %scan3A_6  : i32 {
      %broadcast_in_dim3A = arith.constant 0.000000e+00 : f32
      %broadcast_in_dim3A_48 = vector.broadcast %broadcast_in_dim3A : f32 to vector<16xf32>
      %jit3A = arith.constant 8 : i32
      %div3A = arith.divsi %scan3A_47, %jit3A : i32
      %sign3A = arith.constant 0 : i32
      %sign3A_49 = arith.cmpi sgt, %scan3A_47, %sign3A : i32
      %sign3A_50 = arith.extui %sign3A_49 : i1 to i32
      %sign3A_51 = arith.constant 0 : i32
      %sign3A_52 = arith.cmpi slt, %scan3A_47, %sign3A_51 : i32
      %sign3A_53 = arith.extui %sign3A_52 : i1 to i32
      %sign3A_54 = arith.subi %sign3A_50, %sign3A_53 : i32
      %sign3A_55 = arith.constant 0 : i32
      %sign3A_56 = arith.cmpi sgt, %jit3A, %sign3A_55 : i32
      %sign3A_57 = arith.extui %sign3A_56 : i1 to i32
      %sign3A_58 = arith.constant 0 : i32
      %sign3A_59 = arith.cmpi slt, %jit3A, %sign3A_58 : i32
      %sign3A_60 = arith.extui %sign3A_59 : i1 to i32
      %sign3A_61 = arith.subi %sign3A_57, %sign3A_60 : i32
      %ne3A = arith.cmpi ne, %sign3A_54, %sign3A_61 : i32
      %rem3A = arith.remsi %scan3A_47, %jit3A : i32
      %ne3A_62 = arith.constant 0 : i32
      %ne3A_63 = arith.cmpi ne, %rem3A, %ne3A_62 : i32
      %and3A = arith.andi %ne3A, %ne3A_63 : i1
      %sub3A = arith.constant 1 : i32
      %sub3A_64 = arith.subi %div3A, %sub3A : i32
      %select_n3A = arith.select %and3A, %sub3A_64, %div3A : i32
      %jit3A_65 = arith.constant 8 : i32
      %eq3A = arith.constant 0 : i32
      %eq3A_66 = arith.cmpi eq, %jit3A_65, %eq3A : i32
      %jit3A_67 = arith.constant 1 : i32
      %select_n3A_68 = arith.select %eq3A_66, %jit3A_67, %jit3A_65 : i32
      %rem3A_69 = arith.remsi %scan3A_47, %select_n3A_68 : i32
      %ne3A_70 = arith.constant 0 : i32
      %ne3A_71 = arith.cmpi ne, %rem3A_69, %ne3A_70 : i32
      %lt3A = arith.constant 0 : i32
      %lt3A_72 = arith.cmpi slt, %rem3A_69, %lt3A : i32
      %lt3A_73 = arith.constant 0 : i32
      %lt3A_74 = arith.cmpi slt, %select_n3A_68, %lt3A_73 : i32
      %ne3A_75 = arith.xori %lt3A_72, %lt3A_74 : i1
      %and3A_76 = arith.andi %ne3A_75, %ne3A_71 : i1
      %add3A_77 = arith.addi %rem3A_69, %select_n3A_68 : i32
      %select_n3A_78 = arith.select %and3A_76, %add3A_77, %rem3A_69 : i32
      %mul3A_79 = arith.constant 16 : i32
      %mul3A_80 = arith.muli %select_n3A_78, %mul3A_79 : i32
      %swap3A = arith.index_cast %select_n3A : i32 to index
      %swap3A_81 = arith.index_cast %mul3A_80 : i32 to index
      %swap3A_82 = tpu.vector_load %arg9[%swap3A, %swap3A_81] {strides = array<i32>} : memref<128x128xf32, #tpu.memory_space<vmem>>, vector<1x16xf32>,
      %swap3A_83 = vector.shape_cast %swap3A_82 : vector<1x16xf32> to vector<16xf32>
      %swap3A_84 = vector.shape_cast %broadcast_in_dim3A_48 : vector<16xf32> to vector<1x16xf32>
      tpu.vector_store %arg9[%swap3A, %swap3A_81], %swap3A_84 {strides = array<i32>} : memref<128x128xf32, #tpu.memory_space<vmem>>, vector<1x16xf32>,
    }
    %scan3A_7 = arith.constant 1024 : i32
    %add3A_8 = arith.constant 0 : i32
    %add3A_9 = arith.addi %mul3A_2, %add3A_8 : i32
    "tpu.region"() ({
      %run_scoped3A_47 = tpu.sem_alloc : memref<!tpu.dma_semaphore, #tpu.memory_space<semaphore_mem>>
      %dma_start3A = arith.constant 0 : i32
      %dma_start3A_48 = tpu.memref_slice %arg13[%add3A_9, %dma_start3A] : memref<10240x128xf32, #tpu.memory_space<vmem_shared>> -> memref<128x128xf32, #tpu.memory_space<vmem_shared>>
      %dma_start3A_49 = arith.constant 0 : i32
      %dma_start3A_50 = tpu.memref_slice %arg13[%add3A_9, %dma_start3A_49] : memref<10240x128xf32, #tpu.memory_space<vmem_shared>> -> memref<128x128xf32, #tpu.memory_space<vmem_shared>>
      tpu.enqueue_dma source(%arg9 : memref<128x128xf32, #tpu.memory_space<vmem>>) target(%dma_start3A_50 : memref<128x128xf32, #tpu.memory_space<vmem_shared>>) target_semaphore(%run_scoped3A_47 : memref<!tpu.dma_semaphore, #tpu.memory_space<semaphore_mem>>)
      %dma_wait3A_51 = arith.constant 0 : i32
      %dma_wait3A_52 = tpu.memref_slice %arg13[%add3A_9, %dma_wait3A_51] : memref<10240x128xf32, #tpu.memory_space<vmem_shared>> -> memref<128x128xf32, #tpu.memory_space<vmem_shared>>
      %dma_wait3A_53 = arith.constant 0 : i32
      %dma_wait3A_54 = tpu.memref_slice %arg13[%add3A_9, %dma_wait3A_53] : memref<10240x128xf32, #tpu.memory_space<vmem_shared>> -> memref<128x128xf32, #tpu.memory_space<vmem_shared>>
      tpu.wait_dma2 semaphore(%run_scoped3A_47 : memref<!tpu.dma_semaphore, #tpu.memory_space<semaphore_mem>>) src(%arg9 : memref<128x128xf32, #tpu.memory_space<vmem>>) dst(%dma_wait3A_54 : memref<128x128xf32, #tpu.memory_space<vmem_shared>>)
      tpu.yield
    }) : () -> ()
    %add3A_10 = arith.constant 128 : i32
    %add3A_11 = arith.addi %mul3A_2, %add3A_10 : i32
    "tpu.region"() ({
      %run_scoped3A_47 = tpu.sem_alloc : memref<!tpu.dma_semaphore, #tpu.memory_space<semaphore_mem>>
      %dma_start3A = arith.constant 0 : i32
      %dma_start3A_48 = tpu.memref_slice %arg13[%add3A_11, %dma_start3A] : memref<10240x128xf32, #tpu.memory_space<vmem_shared>> -> memref<128x128xf32, #tpu.memory_space<vmem_shared>>
      %dma_start3A_49 = arith.constant 0 : i32
      %dma_start3A_50 = tpu.memref_slice %arg13[%add3A_11, %dma_start3A_49] : memref<10240x128xf32, #tpu.memory_space<vmem_shared>> -> memref<128x128xf32, #tpu.memory_space<vmem_shared>>
      tpu.enqueue_dma source(%arg9 : memref<128x128xf32, #tpu.memory_space<vmem>>) target(%dma_start3A_50 : memref<128x128xf32, #tpu.memory_space<vmem_shared>>) target_semaphore(%run_scoped3A_47 : memref<!tpu.dma_semaphore, #tpu.memory_space<semaphore_mem>>)
      %dma_wait3A_51 = arith.constant 0 : i32
      %dma_wait3A_52 = tpu.memref_slice %arg13[%add3A_11, %dma_wait3A_51] : memref<10240x128xf32, #tpu.memory_space<vmem_shared>> -> memref<128x128xf32, #tpu.memory_space<vmem_shared>>
      %dma_wait3A_53 = arith.constant 0 : i32
      %dma_wait3A_54 = tpu.memref_slice %arg13[%add3A_11, %dma_wait3A_53] : memref<10240x128xf32, #tpu.memory_space<vmem_shared>> -> memref<128x128xf32, #tpu.memory_space<vmem_shared>>
      tpu.wait_dma2 semaphore(%run_scoped3A_47 : memref<!tpu.dma_semaphore, #tpu.memory_space<semaphore_mem>>) src(%arg9 : memref<128x128xf32, #tpu.memory_space<vmem>>) dst(%dma_wait3A_54 : memref<128x128xf32, #tpu.memory_space<vmem_shared>>)
      tpu.yield
    }) : () -> ()
    %add3A_12 = arith.constant 256 : i32
    %add3A_13 = arith.addi %mul3A_2, %add3A_12 : i32
    "tpu.region"() ({
      %run_scoped3A_47 = tpu.sem_alloc : memref<!tpu.dma_semaphore, #tpu.memory_space<semaphore_mem>>
      %dma_start3A = arith.constant 0 : i32
      %dma_start3A_48 = tpu.memref_slice %arg13[%add3A_13, %dma_start3A] : memref<10240x128xf32, #tpu.memory_space<vmem_shared>> -> memref<128x128xf32, #tpu.memory_space<vmem_shared>>
      %dma_start3A_49 = arith.constant 0 : i32
      %dma_start3A_50 = tpu.memref_slice %arg13[%add3A_13, %dma_start3A_49] : memref<10240x128xf32, #tpu.memory_space<vmem_shared>> -> memref<128x128xf32, #tpu.memory_space<vmem_shared>>
      tpu.enqueue_dma source(%arg9 : memref<128x128xf32, #tpu.memory_space<vmem>>) target(%dma_start3A_50 : memref<128x128xf32, #tpu.memory_space<vmem_shared>>) target_semaphore(%run_scoped3A_47 : memref<!tpu.dma_semaphore, #tpu.memory_space<semaphore_mem>>)
      %dma_wait3A_51 = arith.constant 0 : i32
      %dma_wait3A_52 = tpu.memref_slice %arg13[%add3A_13, %dma_wait3A_51] : memref<10240x128xf32, #tpu.memory_space<vmem_shared>> -> memref<128x128xf32, #tpu.memory_space<vmem_shared>>
      %dma_wait3A_53 = arith.constant 0 : i32
      %dma_wait3A_54 = tpu.memref_slice %arg13[%add3A_13, %dma_wait3A_53] : memref<10240x128xf32, #tpu.memory_space<vmem_shared>> -> memref<128x128xf32, #tpu.memory_space<vmem_shared>>
      tpu.wait_dma2 semaphore(%run_scoped3A_47 : memref<!tpu.dma_semaphore, #tpu.memory_space<semaphore_mem>>) src(%arg9 : memref<128x128xf32, #tpu.memory_space<vmem>>) dst(%dma_wait3A_54 : memref<128x128xf32, #tpu.memory_space<vmem_shared>>)
      tpu.yield
    }) : () -> ()
    %add3A_14 = arith.constant 384 : i32
    %add3A_15 = arith.addi %mul3A_2, %add3A_14 : i32
    "tpu.region"() ({
      %run_scoped3A_47 = tpu.sem_alloc : memref<!tpu.dma_semaphore, #tpu.memory_space<semaphore_mem>>
      %dma_start3A = arith.constant 0 : i32
      %dma_start3A_48 = tpu.memref_slice %arg13[%add3A_15, %dma_start3A] : memref<10240x128xf32, #tpu.memory_space<vmem_shared>> -> memref<128x128xf32, #tpu.memory_space<vmem_shared>>
      %dma_start3A_49 = arith.constant 0 : i32
      %dma_start3A_50 = tpu.memref_slice %arg13[%add3A_15, %dma_start3A_49] : memref<10240x128xf32, #tpu.memory_space<vmem_shared>> -> memref<128x128xf32, #tpu.memory_space<vmem_shared>>
      tpu.enqueue_dma source(%arg9 : memref<128x128xf32, #tpu.memory_space<vmem>>) target(%dma_start3A_50 : memref<128x128xf32, #tpu.memory_space<vmem_shared>>) target_semaphore(%run_scoped3A_47 : memref<!tpu.dma_semaphore, #tpu.memory_space<semaphore_mem>>)
      %dma_wait3A_51 = arith.constant 0 : i32
      %dma_wait3A_52 = tpu.memref_slice %arg13[%add3A_15, %dma_wait3A_51] : memref<10240x128xf32, #tpu.memory_space<vmem_shared>> -> memref<128x128xf32, #tpu.memory_space<vmem_shared>>
      %dma_wait3A_53 = arith.constant 0 : i32
      %dma_wait3A_54 = tpu.memref_slice %arg13[%add3A_15, %dma_wait3A_53] : memref<10240x128xf32, #tpu.memory_space<vmem_shared>> -> memref<128x128xf32, #tpu.memory_space<vmem_shared>>
      tpu.wait_dma2 semaphore(%run_scoped3A_47 : memref<!tpu.dma_semaphore, #tpu.memory_space<semaphore_mem>>) src(%arg9 : memref<128x128xf32, #tpu.memory_space<vmem>>) dst(%dma_wait3A_54 : memref<128x128xf32, #tpu.memory_space<vmem_shared>>)
      tpu.yield
    }) : () -> ()
    %add3A_16 = arith.constant 512 : i32
    %add3A_17 = arith.addi %mul3A_2, %add3A_16 : i32
    "tpu.region"() ({
      %run_scoped3A_47 = tpu.sem_alloc : memref<!tpu.dma_semaphore, #tpu.memory_space<semaphore_mem>>
      %dma_start3A = arith.constant 0 : i32
      %dma_start3A_48 = tpu.memref_slice %arg13[%add3A_17, %dma_start3A] : memref<10240x128xf32, #tpu.memory_space<vmem_shared>> -> memref<128x128xf32, #tpu.memory_space<vmem_shared>>
      %dma_start3A_49 = arith.constant 0 : i32
      %dma_start3A_50 = tpu.memref_slice %arg13[%add3A_17, %dma_start3A_49] : memref<10240x128xf32, #tpu.memory_space<vmem_shared>> -> memref<128x128xf32, #tpu.memory_space<vmem_shared>>
      tpu.enqueue_dma source(%arg9 : memref<128x128xf32, #tpu.memory_space<vmem>>) target(%dma_start3A_50 : memref<128x128xf32, #tpu.memory_space<vmem_shared>>) target_semaphore(%run_scoped3A_47 : memref<!tpu.dma_semaphore, #tpu.memory_space<semaphore_mem>>)
      %dma_wait3A_51 = arith.constant 0 : i32
      %dma_wait3A_52 = tpu.memref_slice %arg13[%add3A_17, %dma_wait3A_51] : memref<10240x128xf32, #tpu.memory_space<vmem_shared>> -> memref<128x128xf32, #tpu.memory_space<vmem_shared>>
      %dma_wait3A_53 = arith.constant 0 : i32
      %dma_wait3A_54 = tpu.memref_slice %arg13[%add3A_17, %dma_wait3A_53] : memref<10240x128xf32, #tpu.memory_space<vmem_shared>> -> memref<128x128xf32, #tpu.memory_space<vmem_shared>>
      tpu.wait_dma2 semaphore(%run_scoped3A_47 : memref<!tpu.dma_semaphore, #tpu.memory_space<semaphore_mem>>) src(%arg9 : memref<128x128xf32, #tpu.memory_space<vmem>>) dst(%dma_wait3A_54 : memref<128x128xf32, #tpu.memory_space<vmem_shared>>)
      tpu.yield
    }) : () -> ()
    %barrier3A = arith.constant 0 : index
    tpu.barrier barrier_id(%barrier3A)
    %run_scoped3A = arith.constant 0 : i32
    "tpu.region"() ({
      %run_scoped3A_47 = tpu.sem_alloc : memref<!tpu.dma_semaphore, #tpu.memory_space<semaphore_mem>>
      %dma_start3A = arith.constant 0 : i32
      %dma_start3A_48 = arith.constant 0 : i32
      %dma_start3A_49 = tpu.memref_slice %arg3[%add3A, %run_scoped3A, %dma_start3A, %dma_start3A_48] : memref<32x2x40x128xi32, #tpu.memory_space<hbm>> -> memref<1x1x40x128xi32, #tpu.memory_space<hbm>>
      %dma_start3A_50 = tpu.memref_squeeze %dma_start3A_49 : memref<1x1x40x128xi32, #tpu.memory_space<hbm>> -> memref<40x128xi32, #tpu.memory_space<hbm>>
      %dma_start3A_51 = arith.constant 0 : i32
      %dma_start3A_52 = arith.constant 0 : i32
      %dma_start3A_53 = tpu.memref_slice %arg3[%add3A, %run_scoped3A, %dma_start3A_51, %dma_start3A_52] : memref<32x2x40x128xi32, #tpu.memory_space<hbm>> -> memref<1x1x40x128xi32, #tpu.memory_space<hbm>>
      %dma_start3A_54 = tpu.memref_squeeze %dma_start3A_53 : memref<1x1x40x128xi32, #tpu.memory_space<hbm>> -> memref<40x128xi32, #tpu.memory_space<hbm>>
      tpu.enqueue_dma source(%dma_start3A_54 : memref<40x128xi32, #tpu.memory_space<hbm>>) target(%arg6 : memref<40x128xi32, #tpu.memory_space<vmem>>) target_semaphore(%run_scoped3A_47 : memref<!tpu.dma_semaphore, #tpu.memory_space<semaphore_mem>>)
      %dma_wait3A_55 = arith.constant 0 : i32
      %dma_wait3A_56 = arith.constant 0 : i32
      %dma_wait3A_57 = tpu.memref_slice %arg3[%add3A, %run_scoped3A, %dma_wait3A_55, %dma_wait3A_56] : memref<32x2x40x128xi32, #tpu.memory_space<hbm>> -> memref<1x1x40x128xi32, #tpu.memory_space<hbm>>
      %dma_wait3A_58 = tpu.memref_squeeze %dma_wait3A_57 : memref<1x1x40x128xi32, #tpu.memory_space<hbm>> -> memref<40x128xi32, #tpu.memory_space<hbm>>
      %dma_wait3A_59 = arith.constant 0 : i32
      %dma_wait3A_60 = arith.constant 0 : i32
      %dma_wait3A_61 = tpu.memref_slice %arg3[%add3A, %run_scoped3A, %dma_wait3A_59, %dma_wait3A_60] : memref<32x2x40x128xi32, #tpu.memory_space<hbm>> -> memref<1x1x40x128xi32, #tpu.memory_space<hbm>>
      %dma_wait3A_62 = tpu.memref_squeeze %dma_wait3A_61 : memref<1x1x40x128xi32, #tpu.memory_space<hbm>> -> memref<40x128xi32, #tpu.memory_space<hbm>>
      tpu.wait_dma2 semaphore(%run_scoped3A_47 : memref<!tpu.dma_semaphore, #tpu.memory_space<semaphore_mem>>) src(%dma_wait3A_62 : memref<40x128xi32, #tpu.memory_space<hbm>>) dst(%arg6 : memref<40x128xi32, #tpu.memory_space<vmem>>)
      tpu.yield
    }) : () -> ()
    %run_scoped3A_18 = arith.constant 0 : i32
    "tpu.region"() ({
      %run_scoped3A_47 = tpu.sem_alloc : memref<!tpu.dma_semaphore, #tpu.memory_space<semaphore_mem>>
      %dma_start3A = arith.constant 0 : i32
      %dma_start3A_48 = arith.constant 0 : i32
      %dma_start3A_49 = tpu.memref_slice %arg4[%add3A, %run_scoped3A_18, %dma_start3A, %dma_start3A_48] : memref<32x2x40x128xi32, #tpu.memory_space<hbm>> -> memref<1x1x40x128xi32, #tpu.memory_space<hbm>>
      %dma_start3A_50 = tpu.memref_squeeze %dma_start3A_49 : memref<1x1x40x128xi32, #tpu.memory_space<hbm>> -> memref<40x128xi32, #tpu.memory_space<hbm>>
      %dma_start3A_51 = arith.constant 0 : i32
      %dma_start3A_52 = arith.constant 0 : i32
      %dma_start3A_53 = tpu.memref_slice %arg4[%add3A, %run_scoped3A_18, %dma_start3A_51, %dma_start3A_52] : memref<32x2x40x128xi32, #tpu.memory_space<hbm>> -> memref<1x1x40x128xi32, #tpu.memory_space<hbm>>
      %dma_start3A_54 = tpu.memref_squeeze %dma_start3A_53 : memref<1x1x40x128xi32, #tpu.memory_space<hbm>> -> memref<40x128xi32, #tpu.memory_space<hbm>>
      tpu.enqueue_dma source(%dma_start3A_54 : memref<40x128xi32, #tpu.memory_space<hbm>>) target(%arg7 : memref<40x128xi32, #tpu.memory_space<vmem>>) target_semaphore(%run_scoped3A_47 : memref<!tpu.dma_semaphore, #tpu.memory_space<semaphore_mem>>)
      %dma_wait3A_55 = arith.constant 0 : i32
      %dma_wait3A_56 = arith.constant 0 : i32
      %dma_wait3A_57 = tpu.memref_slice %arg4[%add3A, %run_scoped3A_18, %dma_wait3A_55, %dma_wait3A_56] : memref<32x2x40x128xi32, #tpu.memory_space<hbm>> -> memref<1x1x40x128xi32, #tpu.memory_space<hbm>>
      %dma_wait3A_58 = tpu.memref_squeeze %dma_wait3A_57 : memref<1x1x40x128xi32, #tpu.memory_space<hbm>> -> memref<40x128xi32, #tpu.memory_space<hbm>>
      %dma_wait3A_59 = arith.constant 0 : i32
      %dma_wait3A_60 = arith.constant 0 : i32
      %dma_wait3A_61 = tpu.memref_slice %arg4[%add3A, %run_scoped3A_18, %dma_wait3A_59, %dma_wait3A_60] : memref<32x2x40x128xi32, #tpu.memory_space<hbm>> -> memref<1x1x40x128xi32, #tpu.memory_space<hbm>>
      %dma_wait3A_62 = tpu.memref_squeeze %dma_wait3A_61 : memref<1x1x40x128xi32, #tpu.memory_space<hbm>> -> memref<40x128xi32, #tpu.memory_space<hbm>>
      tpu.wait_dma2 semaphore(%run_scoped3A_47 : memref<!tpu.dma_semaphore, #tpu.memory_space<semaphore_mem>>) src(%dma_wait3A_62 : memref<40x128xi32, #tpu.memory_space<hbm>>) dst(%arg7 : memref<40x128xi32, #tpu.memory_space<vmem>>)
      tpu.yield
    }) : () -> ()
    %scan3A_19 = arith.constant 0 : i32
    %scan3A_20 = arith.constant 0 : i32
    %scan3A_21 = arith.constant 20 : i32
    %scan3A_22 = arith.addi %scan3A_20, %scan3A_21 : i32
    %scan3A_23 = arith.constant 1 : i32
    scf.for %scan3A_47 = %scan3A_20 to %scan3A_22 step %scan3A_23  : i32 {
      %mul3A_48 = arith.constant 2 : i32
      %mul3A_49 = arith.muli %scan3A_47, %mul3A_48 : i32
      %add3A_50 = arith.constant 0 : i32
      %add3A_51 = arith.addi %mul3A_49, %add3A_50 : i32
      %gt3A = arith.constant 0 : i32
      %gt3A_52 = arith.cmpi sgt, %scan3A_47, %gt3A : i32
      %convert_element_type3A = arith.extui %gt3A_52 : i1 to i32
      %cond3A = arith.constant 0 : i32
      %cond3A_53 = arith.cmpi ne, %convert_element_type3A, %cond3A : i32
      scf.if %cond3A_53 {
        %dma_wait3A_80 = arith.constant 0 : i32
        %dma_wait3A_81 = tpu.memref_slice %arg7[%add3A_51, %dma_wait3A_80] : memref<40x128xi32, #tpu.memory_space<vmem>> -> memref<1x128xi32, #tpu.memory_space<vmem>>
        %dma_wait3A_82 = tpu.memref_squeeze %dma_wait3A_81 : memref<1x128xi32, #tpu.memory_space<vmem>> -> memref<128xi32, #tpu.memory_space<vmem>>
        %dma_wait3A_83 = arith.constant 0 : i32
        %dma_wait3A_84 = arith.constant 0 : i32
        %dma_wait3A_85 = tpu.memref_slice %arg13[%dma_wait3A_83, %dma_wait3A_84] : memref<10240x128xf32, #tpu.memory_space<vmem_shared>> -> memref<10240x128xf32, #tpu.memory_space<vmem_shared>>
        tpu.wait_indirect_dma semaphore(%arg11 : memref<!tpu.dma_semaphore, #tpu.memory_space<semaphore_mem>>) src(%arg9 : memref<128x128xf32, #tpu.memory_space<vmem>>) dst(%dma_wait3A_85 : memref<10240x128xf32, #tpu.memory_space<vmem_shared>>)
      } else {
      }
      %add3A_54 = arith.constant 0 : i32
      %add3A_55 = arith.addi %mul3A_49, %add3A_54 : i32
      "tpu.region"() ({
        %run_scoped3A_80 = tpu.sem_alloc : memref<!tpu.dma_semaphore, #tpu.memory_space<semaphore_mem>>
        %dma_start3A_81 = arith.constant 0 : i32
        %dma_start3A_82 = tpu.memref_slice %arg6[%add3A_55, %dma_start3A_81] : memref<40x128xi32, #tpu.memory_space<vmem>> -> memref<1x128xi32, #tpu.memory_space<vmem>>
        %dma_start3A_83 = tpu.memref_squeeze %dma_start3A_82 : memref<1x128xi32, #tpu.memory_space<vmem>> -> memref<128xi32, #tpu.memory_space<vmem>>
        %dma_start3A_84 = arith.constant 0 : i32
        %dma_start3A_85 = arith.constant 0 : i32
        %dma_start3A_86 = tpu.memref_slice %arg2[%dma_start3A_84, %dma_start3A_85] : memref<10240x128xf32, #tpu.memory_space<hbm>> -> memref<10240x128xf32, #tpu.memory_space<hbm>>
        tpu.enqueue_indirect_dma source(%dma_start3A_86 : memref<10240x128xf32, #tpu.memory_space<hbm>>) target(%arg9 : memref<128x128xf32, #tpu.memory_space<vmem>>) offsets(%dma_start3A_83 : memref<128xi32, #tpu.memory_space<vmem>>) semaphore(%run_scoped3A_80 : memref<!tpu.dma_semaphore, #tpu.memory_space<semaphore_mem>>)
        %dma_wait3A_87 = arith.constant 0 : i32
        %dma_wait3A_88 = tpu.memref_slice %arg6[%add3A_55, %dma_wait3A_87] : memref<40x128xi32, #tpu.memory_space<vmem>> -> memref<1x128xi32, #tpu.memory_space<vmem>>
        %dma_wait3A_89 = tpu.memref_squeeze %dma_wait3A_88 : memref<1x128xi32, #tpu.memory_space<vmem>> -> memref<128xi32, #tpu.memory_space<vmem>>
        %dma_wait3A_90 = arith.constant 0 : i32
        %dma_wait3A_91 = arith.constant 0 : i32
        %dma_wait3A_92 = tpu.memref_slice %arg2[%dma_wait3A_90, %dma_wait3A_91] : memref<10240x128xf32, #tpu.memory_space<hbm>> -> memref<10240x128xf32, #tpu.memory_space<hbm>>
        tpu.wait_indirect_dma semaphore(%run_scoped3A_80 : memref<!tpu.dma_semaphore, #tpu.memory_space<semaphore_mem>>) src(%dma_wait3A_92 : memref<10240x128xf32, #tpu.memory_space<hbm>>) dst(%arg9 : memref<128x128xf32, #tpu.memory_space<vmem>>)
        tpu.yield
      }) : () -> ()
      %add3A_56 = arith.constant 0 : i32
      %add3A_57 = arith.addi %mul3A_49, %add3A_56 : i32
      %dma_start3A = arith.constant 0 : i32
      %dma_start3A_58 = tpu.memref_slice %arg7[%add3A_57, %dma_start3A] : memref<40x128xi32, #tpu.memory_space<vmem>> -> memref<1x128xi32, #tpu.memory_space<vmem>>
      %dma_start3A_59 = tpu.memref_squeeze %dma_start3A_58 : memref<1x128xi32, #tpu.memory_space<vmem>> -> memref<128xi32, #tpu.memory_space<vmem>>
      %dma_start3A_60 = arith.constant 0 : i32
      %dma_start3A_61 = arith.constant 0 : i32
      %dma_start3A_62 = tpu.memref_slice %arg13[%dma_start3A_60, %dma_start3A_61] : memref<10240x128xf32, #tpu.memory_space<vmem_shared>> -> memref<10240x128xf32, #tpu.memory_space<vmem_shared>>
      tpu.enqueue_indirect_dma source(%arg9 : memref<128x128xf32, #tpu.memory_space<vmem>>) target(%dma_start3A_62 : memref<10240x128xf32, #tpu.memory_space<vmem_shared>>) offsets(%dma_start3A_59 : memref<128xi32, #tpu.memory_space<vmem>>) semaphore(%arg11 : memref<!tpu.dma_semaphore, #tpu.memory_space<semaphore_mem>>) {add = true}
      %add3A_63 = arith.constant 1 : i32
      %add3A_64 = arith.addi %mul3A_49, %add3A_63 : i32
      %gt3A_65 = arith.constant 0 : i32
      %gt3A_66 = arith.cmpi sgt, %scan3A_47, %gt3A_65 : i32
      %convert_element_type3A_67 = arith.extui %gt3A_66 : i1 to i32
      %cond3A_68 = arith.constant 0 : i32
      %cond3A_69 = arith.cmpi ne, %convert_element_type3A_67, %cond3A_68 : i32
      scf.if %cond3A_69 {
        %dma_wait3A_80 = arith.constant 0 : i32
        %dma_wait3A_81 = tpu.memref_slice %arg7[%add3A_64, %dma_wait3A_80] : memref<40x128xi32, #tpu.memory_space<vmem>> -> memref<1x128xi32, #tpu.memory_space<vmem>>
        %dma_wait3A_82 = tpu.memref_squeeze %dma_wait3A_81 : memref<1x128xi32, #tpu.memory_space<vmem>> -> memref<128xi32, #tpu.memory_space<vmem>>
        %dma_wait3A_83 = arith.constant 0 : i32
        %dma_wait3A_84 = arith.constant 0 : i32
        %dma_wait3A_85 = tpu.memref_slice %arg13[%dma_wait3A_83, %dma_wait3A_84] : memref<10240x128xf32, #tpu.memory_space<vmem_shared>> -> memref<10240x128xf32, #tpu.memory_space<vmem_shared>>
        tpu.wait_indirect_dma semaphore(%arg12 : memref<!tpu.dma_semaphore, #tpu.memory_space<semaphore_mem>>) src(%arg10 : memref<128x128xf32, #tpu.memory_space<vmem>>) dst(%dma_wait3A_85 : memref<10240x128xf32, #tpu.memory_space<vmem_shared>>)
      } else {
      }
      %add3A_70 = arith.constant 1 : i32
      %add3A_71 = arith.addi %mul3A_49, %add3A_70 : i32
      "tpu.region"() ({
        %run_scoped3A_80 = tpu.sem_alloc : memref<!tpu.dma_semaphore, #tpu.memory_space<semaphore_mem>>
        %dma_start3A_81 = arith.constant 0 : i32
        %dma_start3A_82 = tpu.memref_slice %arg6[%add3A_71, %dma_start3A_81] : memref<40x128xi32, #tpu.memory_space<vmem>> -> memref<1x128xi32, #tpu.memory_space<vmem>>
        %dma_start3A_83 = tpu.memref_squeeze %dma_start3A_82 : memref<1x128xi32, #tpu.memory_space<vmem>> -> memref<128xi32, #tpu.memory_space<vmem>>
        %dma_start3A_84 = arith.constant 0 : i32
        %dma_start3A_85 = arith.constant 0 : i32
        %dma_start3A_86 = tpu.memref_slice %arg2[%dma_start3A_84, %dma_start3A_85] : memref<10240x128xf32, #tpu.memory_space<hbm>> -> memref<10240x128xf32, #tpu.memory_space<hbm>>
        tpu.enqueue_indirect_dma source(%dma_start3A_86 : memref<10240x128xf32, #tpu.memory_space<hbm>>) target(%arg10 : memref<128x128xf32, #tpu.memory_space<vmem>>) offsets(%dma_start3A_83 : memref<128xi32, #tpu.memory_space<vmem>>) semaphore(%run_scoped3A_80 : memref<!tpu.dma_semaphore, #tpu.memory_space<semaphore_mem>>)
        %dma_wait3A_87 = arith.constant 0 : i32
        %dma_wait3A_88 = tpu.memref_slice %arg6[%add3A_71, %dma_wait3A_87] : memref<40x128xi32, #tpu.memory_space<vmem>> -> memref<1x128xi32, #tpu.memory_space<vmem>>
        %dma_wait3A_89 = tpu.memref_squeeze %dma_wait3A_88 : memref<1x128xi32, #tpu.memory_space<vmem>> -> memref<128xi32, #tpu.memory_space<vmem>>
        %dma_wait3A_90 = arith.constant 0 : i32
        %dma_wait3A_91 = arith.constant 0 : i32
        %dma_wait3A_92 = tpu.memref_slice %arg2[%dma_wait3A_90, %dma_wait3A_91] : memref<10240x128xf32, #tpu.memory_space<hbm>> -> memref<10240x128xf32, #tpu.memory_space<hbm>>
        tpu.wait_indirect_dma semaphore(%run_scoped3A_80 : memref<!tpu.dma_semaphore, #tpu.memory_space<semaphore_mem>>) src(%dma_wait3A_92 : memref<10240x128xf32, #tpu.memory_space<hbm>>) dst(%arg10 : memref<128x128xf32, #tpu.memory_space<vmem>>)
        tpu.yield
      }) : () -> ()
      %add3A_72 = arith.constant 1 : i32
      %add3A_73 = arith.addi %mul3A_49, %add3A_72 : i32
      %dma_start3A_74 = arith.constant 0 : i32
      %dma_start3A_75 = tpu.memref_slice %arg7[%add3A_73, %dma_start3A_74] : memref<40x128xi32, #tpu.memory_space<vmem>> -> memref<1x128xi32, #tpu.memory_space<vmem>>
      %dma_start3A_76 = tpu.memref_squeeze %dma_start3A_75 : memref<1x128xi32, #tpu.memory_space<vmem>> -> memref<128xi32, #tpu.memory_space<vmem>>
      %dma_start3A_77 = arith.constant 0 : i32
      %dma_start3A_78 = arith.constant 0 : i32
      %dma_start3A_79 = tpu.memref_slice %arg13[%dma_start3A_77, %dma_start3A_78] : memref<10240x128xf32, #tpu.memory_space<vmem_shared>> -> memref<10240x128xf32, #tpu.memory_space<vmem_shared>>
      tpu.enqueue_indirect_dma source(%arg10 : memref<128x128xf32, #tpu.memory_space<vmem>>) target(%dma_start3A_79 : memref<10240x128xf32, #tpu.memory_space<vmem_shared>>) offsets(%dma_start3A_76 : memref<128xi32, #tpu.memory_space<vmem>>) semaphore(%arg12 : memref<!tpu.dma_semaphore, #tpu.memory_space<semaphore_mem>>) {add = true}
    }
    %scan3A_24 = arith.constant 20 : i32
    %run_scoped3A_25 = arith.constant 1 : i32
    "tpu.region"() ({
      %run_scoped3A_47 = tpu.sem_alloc : memref<!tpu.dma_semaphore, #tpu.memory_space<semaphore_mem>>
      %dma_start3A = arith.constant 0 : i32
      %dma_start3A_48 = arith.constant 0 : i32
      %dma_start3A_49 = tpu.memref_slice %arg3[%add3A, %run_scoped3A_25, %dma_start3A, %dma_start3A_48] : memref<32x2x40x128xi32, #tpu.memory_space<hbm>> -> memref<1x1x40x128xi32, #tpu.memory_space<hbm>>
      %dma_start3A_50 = tpu.memref_squeeze %dma_start3A_49 : memref<1x1x40x128xi32, #tpu.memory_space<hbm>> -> memref<40x128xi32, #tpu.memory_space<hbm>>
      %dma_start3A_51 = arith.constant 0 : i32
      %dma_start3A_52 = arith.constant 0 : i32
      %dma_start3A_53 = tpu.memref_slice %arg3[%add3A, %run_scoped3A_25, %dma_start3A_51, %dma_start3A_52] : memref<32x2x40x128xi32, #tpu.memory_space<hbm>> -> memref<1x1x40x128xi32, #tpu.memory_space<hbm>>
      %dma_start3A_54 = tpu.memref_squeeze %dma_start3A_53 : memref<1x1x40x128xi32, #tpu.memory_space<hbm>> -> memref<40x128xi32, #tpu.memory_space<hbm>>
      tpu.enqueue_dma source(%dma_start3A_54 : memref<40x128xi32, #tpu.memory_space<hbm>>) target(%arg6 : memref<40x128xi32, #tpu.memory_space<vmem>>) target_semaphore(%run_scoped3A_47 : memref<!tpu.dma_semaphore, #tpu.memory_space<semaphore_mem>>)
      %dma_wait3A_55 = arith.constant 0 : i32
      %dma_wait3A_56 = arith.constant 0 : i32
      %dma_wait3A_57 = tpu.memref_slice %arg3[%add3A, %run_scoped3A_25, %dma_wait3A_55, %dma_wait3A_56] : memref<32x2x40x128xi32, #tpu.memory_space<hbm>> -> memref<1x1x40x128xi32, #tpu.memory_space<hbm>>
      %dma_wait3A_58 = tpu.memref_squeeze %dma_wait3A_57 : memref<1x1x40x128xi32, #tpu.memory_space<hbm>> -> memref<40x128xi32, #tpu.memory_space<hbm>>
      %dma_wait3A_59 = arith.constant 0 : i32
      %dma_wait3A_60 = arith.constant 0 : i32
      %dma_wait3A_61 = tpu.memref_slice %arg3[%add3A, %run_scoped3A_25, %dma_wait3A_59, %dma_wait3A_60] : memref<32x2x40x128xi32, #tpu.memory_space<hbm>> -> memref<1x1x40x128xi32, #tpu.memory_space<hbm>>
      %dma_wait3A_62 = tpu.memref_squeeze %dma_wait3A_61 : memref<1x1x40x128xi32, #tpu.memory_space<hbm>> -> memref<40x128xi32, #tpu.memory_space<hbm>>
      tpu.wait_dma2 semaphore(%run_scoped3A_47 : memref<!tpu.dma_semaphore, #tpu.memory_space<semaphore_mem>>) src(%dma_wait3A_62 : memref<40x128xi32, #tpu.memory_space<hbm>>) dst(%arg6 : memref<40x128xi32, #tpu.memory_space<vmem>>)
      tpu.yield
    }) : () -> ()
    %run_scoped3A_26 = arith.constant 1 : i32
    "tpu.region"() ({
      %run_scoped3A_47 = tpu.sem_alloc : memref<!tpu.dma_semaphore, #tpu.memory_space<semaphore_mem>>
      %dma_start3A = arith.constant 0 : i32
      %dma_start3A_48 = arith.constant 0 : i32
      %dma_start3A_49 = tpu.memref_slice %arg4[%add3A, %run_scoped3A_26, %dma_start3A, %dma_start3A_48] : memref<32x2x40x128xi32, #tpu.memory_space<hbm>> -> memref<1x1x40x128xi32, #tpu.memory_space<hbm>>
      %dma_start3A_50 = tpu.memref_squeeze %dma_start3A_49 : memref<1x1x40x128xi32, #tpu.memory_space<hbm>> -> memref<40x128xi32, #tpu.memory_space<hbm>>
      %dma_start3A_51 = arith.constant 0 : i32
      %dma_start3A_52 = arith.constant 0 : i32
      %dma_start3A_53 = tpu.memref_slice %arg4[%add3A, %run_scoped3A_26, %dma_start3A_51, %dma_start3A_52] : memref<32x2x40x128xi32, #tpu.memory_space<hbm>> -> memref<1x1x40x128xi32, #tpu.memory_space<hbm>>
      %dma_start3A_54 = tpu.memref_squeeze %dma_start3A_53 : memref<1x1x40x128xi32, #tpu.memory_space<hbm>> -> memref<40x128xi32, #tpu.memory_space<hbm>>
      tpu.enqueue_dma source(%dma_start3A_54 : memref<40x128xi32, #tpu.memory_space<hbm>>) target(%arg8 : memref<40x128xi32, #tpu.memory_space<vmem>>) target_semaphore(%run_scoped3A_47 : memref<!tpu.dma_semaphore, #tpu.memory_space<semaphore_mem>>)
      %dma_wait3A_55 = arith.constant 0 : i32
      %dma_wait3A_56 = arith.constant 0 : i32
      %dma_wait3A_57 = tpu.memref_slice %arg4[%add3A, %run_scoped3A_26, %dma_wait3A_55, %dma_wait3A_56] : memref<32x2x40x128xi32, #tpu.memory_space<hbm>> -> memref<1x1x40x128xi32, #tpu.memory_space<hbm>>
      %dma_wait3A_58 = tpu.memref_squeeze %dma_wait3A_57 : memref<1x1x40x128xi32, #tpu.memory_space<hbm>> -> memref<40x128xi32, #tpu.memory_space<hbm>>
      %dma_wait3A_59 = arith.constant 0 : i32
      %dma_wait3A_60 = arith.constant 0 : i32
      %dma_wait3A_61 = tpu.memref_slice %arg4[%add3A, %run_scoped3A_26, %dma_wait3A_59, %dma_wait3A_60] : memref<32x2x40x128xi32, #tpu.memory_space<hbm>> -> memref<1x1x40x128xi32, #tpu.memory_space<hbm>>
      %dma_wait3A_62 = tpu.memref_squeeze %dma_wait3A_61 : memref<1x1x40x128xi32, #tpu.memory_space<hbm>> -> memref<40x128xi32, #tpu.memory_space<hbm>>
      tpu.wait_dma2 semaphore(%run_scoped3A_47 : memref<!tpu.dma_semaphore, #tpu.memory_space<semaphore_mem>>) src(%dma_wait3A_62 : memref<40x128xi32, #tpu.memory_space<hbm>>) dst(%arg8 : memref<40x128xi32, #tpu.memory_space<vmem>>)
      tpu.yield
    }) : () -> ()
    %scan3A_27 = arith.constant 0 : i32
    %scan3A_28 = arith.constant 0 : i32
    %scan3A_29 = arith.constant 20 : i32
    %scan3A_30 = arith.addi %scan3A_28, %scan3A_29 : i32
    %scan3A_31 = arith.constant 1 : i32
    scf.for %scan3A_47 = %scan3A_28 to %scan3A_30 step %scan3A_31  : i32 {
      %mul3A_48 = arith.constant 2 : i32
      %mul3A_49 = arith.muli %scan3A_47, %mul3A_48 : i32
      %add3A_50 = arith.constant 0 : i32
      %add3A_51 = arith.addi %mul3A_49, %add3A_50 : i32
      %dma_wait3A_52 = arith.constant 0 : i32
      %dma_wait3A_53 = tpu.memref_slice %arg8[%add3A_51, %dma_wait3A_52] : memref<40x128xi32, #tpu.memory_space<vmem>> -> memref<1x128xi32, #tpu.memory_space<vmem>>
      %dma_wait3A_54 = tpu.memref_squeeze %dma_wait3A_53 : memref<1x128xi32, #tpu.memory_space<vmem>> -> memref<128xi32, #tpu.memory_space<vmem>>
      %dma_wait3A_55 = arith.constant 0 : i32
      %dma_wait3A_56 = arith.constant 0 : i32
      %dma_wait3A_57 = tpu.memref_slice %arg13[%dma_wait3A_55, %dma_wait3A_56] : memref<10240x128xf32, #tpu.memory_space<vmem_shared>> -> memref<10240x128xf32, #tpu.memory_space<vmem_shared>>
      tpu.wait_indirect_dma semaphore(%arg11 : memref<!tpu.dma_semaphore, #tpu.memory_space<semaphore_mem>>) src(%arg9 : memref<128x128xf32, #tpu.memory_space<vmem>>) dst(%dma_wait3A_57 : memref<10240x128xf32, #tpu.memory_space<vmem_shared>>)
      %add3A_58 = arith.constant 0 : i32
      %add3A_59 = arith.addi %mul3A_49, %add3A_58 : i32
      "tpu.region"() ({
        %run_scoped3A_85 = tpu.sem_alloc : memref<!tpu.dma_semaphore, #tpu.memory_space<semaphore_mem>>
        %dma_start3A_86 = arith.constant 0 : i32
        %dma_start3A_87 = tpu.memref_slice %arg6[%add3A_59, %dma_start3A_86] : memref<40x128xi32, #tpu.memory_space<vmem>> -> memref<1x128xi32, #tpu.memory_space<vmem>>
        %dma_start3A_88 = tpu.memref_squeeze %dma_start3A_87 : memref<1x128xi32, #tpu.memory_space<vmem>> -> memref<128xi32, #tpu.memory_space<vmem>>
        %dma_start3A_89 = arith.constant 0 : i32
        %dma_start3A_90 = arith.constant 0 : i32
        %dma_start3A_91 = tpu.memref_slice %arg2[%dma_start3A_89, %dma_start3A_90] : memref<10240x128xf32, #tpu.memory_space<hbm>> -> memref<10240x128xf32, #tpu.memory_space<hbm>>
        tpu.enqueue_indirect_dma source(%dma_start3A_91 : memref<10240x128xf32, #tpu.memory_space<hbm>>) target(%arg9 : memref<128x128xf32, #tpu.memory_space<vmem>>) offsets(%dma_start3A_88 : memref<128xi32, #tpu.memory_space<vmem>>) semaphore(%run_scoped3A_85 : memref<!tpu.dma_semaphore, #tpu.memory_space<semaphore_mem>>)
        %dma_wait3A_92 = arith.constant 0 : i32
        %dma_wait3A_93 = tpu.memref_slice %arg6[%add3A_59, %dma_wait3A_92] : memref<40x128xi32, #tpu.memory_space<vmem>> -> memref<1x128xi32, #tpu.memory_space<vmem>>
        %dma_wait3A_94 = tpu.memref_squeeze %dma_wait3A_93 : memref<1x128xi32, #tpu.memory_space<vmem>> -> memref<128xi32, #tpu.memory_space<vmem>>
        %dma_wait3A_95 = arith.constant 0 : i32
        %dma_wait3A_96 = arith.constant 0 : i32
        %dma_wait3A_97 = tpu.memref_slice %arg2[%dma_wait3A_95, %dma_wait3A_96] : memref<10240x128xf32, #tpu.memory_space<hbm>> -> memref<10240x128xf32, #tpu.memory_space<hbm>>
        tpu.wait_indirect_dma semaphore(%run_scoped3A_85 : memref<!tpu.dma_semaphore, #tpu.memory_space<semaphore_mem>>) src(%dma_wait3A_97 : memref<10240x128xf32, #tpu.memory_space<hbm>>) dst(%arg9 : memref<128x128xf32, #tpu.memory_space<vmem>>)
        tpu.yield
      }) : () -> ()
      %add3A_60 = arith.constant 0 : i32
      %add3A_61 = arith.addi %mul3A_49, %add3A_60 : i32
      %dma_start3A = arith.constant 0 : i32
      %dma_start3A_62 = tpu.memref_slice %arg8[%add3A_61, %dma_start3A] : memref<40x128xi32, #tpu.memory_space<vmem>> -> memref<1x128xi32, #tpu.memory_space<vmem>>
      %dma_start3A_63 = tpu.memref_squeeze %dma_start3A_62 : memref<1x128xi32, #tpu.memory_space<vmem>> -> memref<128xi32, #tpu.memory_space<vmem>>
      %dma_start3A_64 = arith.constant 0 : i32
      %dma_start3A_65 = arith.constant 0 : i32
      %dma_start3A_66 = tpu.memref_slice %arg13[%dma_start3A_64, %dma_start3A_65] : memref<10240x128xf32, #tpu.memory_space<vmem_shared>> -> memref<10240x128xf32, #tpu.memory_space<vmem_shared>>
      tpu.enqueue_indirect_dma source(%arg9 : memref<128x128xf32, #tpu.memory_space<vmem>>) target(%dma_start3A_66 : memref<10240x128xf32, #tpu.memory_space<vmem_shared>>) offsets(%dma_start3A_63 : memref<128xi32, #tpu.memory_space<vmem>>) semaphore(%arg11 : memref<!tpu.dma_semaphore, #tpu.memory_space<semaphore_mem>>) {add = true}
      %add3A_67 = arith.constant 1 : i32
      %add3A_68 = arith.addi %mul3A_49, %add3A_67 : i32
      %dma_wait3A_69 = arith.constant 0 : i32
      %dma_wait3A_70 = tpu.memref_slice %arg8[%add3A_68, %dma_wait3A_69] : memref<40x128xi32, #tpu.memory_space<vmem>> -> memref<1x128xi32, #tpu.memory_space<vmem>>
      %dma_wait3A_71 = tpu.memref_squeeze %dma_wait3A_70 : memref<1x128xi32, #tpu.memory_space<vmem>> -> memref<128xi32, #tpu.memory_space<vmem>>
      %dma_wait3A_72 = arith.constant 0 : i32
      %dma_wait3A_73 = arith.constant 0 : i32
      %dma_wait3A_74 = tpu.memref_slice %arg13[%dma_wait3A_72, %dma_wait3A_73] : memref<10240x128xf32, #tpu.memory_space<vmem_shared>> -> memref<10240x128xf32, #tpu.memory_space<vmem_shared>>
      tpu.wait_indirect_dma semaphore(%arg12 : memref<!tpu.dma_semaphore, #tpu.memory_space<semaphore_mem>>) src(%arg10 : memref<128x128xf32, #tpu.memory_space<vmem>>) dst(%dma_wait3A_74 : memref<10240x128xf32, #tpu.memory_space<vmem_shared>>)
      %add3A_75 = arith.constant 1 : i32
      %add3A_76 = arith.addi %mul3A_49, %add3A_75 : i32
      "tpu.region"() ({
        %run_scoped3A_85 = tpu.sem_alloc : memref<!tpu.dma_semaphore, #tpu.memory_space<semaphore_mem>>
        %dma_start3A_86 = arith.constant 0 : i32
        %dma_start3A_87 = tpu.memref_slice %arg6[%add3A_76, %dma_start3A_86] : memref<40x128xi32, #tpu.memory_space<vmem>> -> memref<1x128xi32, #tpu.memory_space<vmem>>
        %dma_start3A_88 = tpu.memref_squeeze %dma_start3A_87 : memref<1x128xi32, #tpu.memory_space<vmem>> -> memref<128xi32, #tpu.memory_space<vmem>>
        %dma_start3A_89 = arith.constant 0 : i32
        %dma_start3A_90 = arith.constant 0 : i32
        %dma_start3A_91 = tpu.memref_slice %arg2[%dma_start3A_89, %dma_start3A_90] : memref<10240x128xf32, #tpu.memory_space<hbm>> -> memref<10240x128xf32, #tpu.memory_space<hbm>>
        tpu.enqueue_indirect_dma source(%dma_start3A_91 : memref<10240x128xf32, #tpu.memory_space<hbm>>) target(%arg10 : memref<128x128xf32, #tpu.memory_space<vmem>>) offsets(%dma_start3A_88 : memref<128xi32, #tpu.memory_space<vmem>>) semaphore(%run_scoped3A_85 : memref<!tpu.dma_semaphore, #tpu.memory_space<semaphore_mem>>)
        %dma_wait3A_92 = arith.constant 0 : i32
        %dma_wait3A_93 = tpu.memref_slice %arg6[%add3A_76, %dma_wait3A_92] : memref<40x128xi32, #tpu.memory_space<vmem>> -> memref<1x128xi32, #tpu.memory_space<vmem>>
        %dma_wait3A_94 = tpu.memref_squeeze %dma_wait3A_93 : memref<1x128xi32, #tpu.memory_space<vmem>> -> memref<128xi32, #tpu.memory_space<vmem>>
        %dma_wait3A_95 = arith.constant 0 : i32
        %dma_wait3A_96 = arith.constant 0 : i32
        %dma_wait3A_97 = tpu.memref_slice %arg2[%dma_wait3A_95, %dma_wait3A_96] : memref<10240x128xf32, #tpu.memory_space<hbm>> -> memref<10240x128xf32, #tpu.memory_space<hbm>>
        tpu.wait_indirect_dma semaphore(%run_scoped3A_85 : memref<!tpu.dma_semaphore, #tpu.memory_space<semaphore_mem>>) src(%dma_wait3A_97 : memref<10240x128xf32, #tpu.memory_space<hbm>>) dst(%arg10 : memref<128x128xf32, #tpu.memory_space<vmem>>)
        tpu.yield
      }) : () -> ()
      %add3A_77 = arith.constant 1 : i32
      %add3A_78 = arith.addi %mul3A_49, %add3A_77 : i32
      %dma_start3A_79 = arith.constant 0 : i32
      %dma_start3A_80 = tpu.memref_slice %arg8[%add3A_78, %dma_start3A_79] : memref<40x128xi32, #tpu.memory_space<vmem>> -> memref<1x128xi32, #tpu.memory_space<vmem>>
      %dma_start3A_81 = tpu.memref_squeeze %dma_start3A_80 : memref<1x128xi32, #tpu.memory_space<vmem>> -> memref<128xi32, #tpu.memory_space<vmem>>
      %dma_start3A_82 = arith.constant 0 : i32
      %dma_start3A_83 = arith.constant 0 : i32
      %dma_start3A_84 = tpu.memref_slice %arg13[%dma_start3A_82, %dma_start3A_83] : memref<10240x128xf32, #tpu.memory_space<vmem_shared>> -> memref<10240x128xf32, #tpu.memory_space<vmem_shared>>
      tpu.enqueue_indirect_dma source(%arg10 : memref<128x128xf32, #tpu.memory_space<vmem>>) target(%dma_start3A_84 : memref<10240x128xf32, #tpu.memory_space<vmem_shared>>) offsets(%dma_start3A_81 : memref<128xi32, #tpu.memory_space<vmem>>) semaphore(%arg12 : memref<!tpu.dma_semaphore, #tpu.memory_space<semaphore_mem>>) {add = true}
    }
    %scan3A_32 = arith.constant 20 : i32
    %dma_wait3A = arith.constant 38 : i32
    %dma_wait3A_33 = arith.constant 0 : i32
    %dma_wait3A_34 = tpu.memref_slice %arg8[%dma_wait3A, %dma_wait3A_33] : memref<40x128xi32, #tpu.memory_space<vmem>> -> memref<1x128xi32, #tpu.memory_space<vmem>>
    %dma_wait3A_35 = tpu.memref_squeeze %dma_wait3A_34 : memref<1x128xi32, #tpu.memory_space<vmem>> -> memref<128xi32, #tpu.memory_space<vmem>>
    %dma_wait3A_36 = arith.constant 0 : i32
    %dma_wait3A_37 = arith.constant 0 : i32
    %dma_wait3A_38 = tpu.memref_slice %arg13[%dma_wait3A_36, %dma_wait3A_37] : memref<10240x128xf32, #tpu.memory_space<vmem_shared>> -> memref<10240x128xf32, #tpu.memory_space<vmem_shared>>
    tpu.wait_indirect_dma semaphore(%arg11 : memref<!tpu.dma_semaphore, #tpu.memory_space<semaphore_mem>>) src(%arg9 : memref<128x128xf32, #tpu.memory_space<vmem>>) dst(%dma_wait3A_38 : memref<10240x128xf32, #tpu.memory_space<vmem_shared>>)
    %dma_wait3A_39 = arith.constant 39 : i32
    %dma_wait3A_40 = arith.constant 0 : i32
    %dma_wait3A_41 = tpu.memref_slice %arg8[%dma_wait3A_39, %dma_wait3A_40] : memref<40x128xi32, #tpu.memory_space<vmem>> -> memref<1x128xi32, #tpu.memory_space<vmem>>
    %dma_wait3A_42 = tpu.memref_squeeze %dma_wait3A_41 : memref<1x128xi32, #tpu.memory_space<vmem>> -> memref<128xi32, #tpu.memory_space<vmem>>
    %dma_wait3A_43 = arith.constant 0 : i32
    %dma_wait3A_44 = arith.constant 0 : i32
    %dma_wait3A_45 = tpu.memref_slice %arg13[%dma_wait3A_43, %dma_wait3A_44] : memref<10240x128xf32, #tpu.memory_space<vmem_shared>> -> memref<10240x128xf32, #tpu.memory_space<vmem_shared>>
    tpu.wait_indirect_dma semaphore(%arg12 : memref<!tpu.dma_semaphore, #tpu.memory_space<semaphore_mem>>) src(%arg10 : memref<128x128xf32, #tpu.memory_space<vmem>>) dst(%dma_wait3A_45 : memref<10240x128xf32, #tpu.memory_space<vmem_shared>>)
    %barrier3A_46 = arith.constant 0 : index
    tpu.barrier barrier_id(%barrier3A_46)
    "tpu.region"() ({
      %run_scoped3A_47 = tpu.sem_alloc : memref<!tpu.dma_semaphore, #tpu.memory_space<semaphore_mem>>
      %dma_start3A = arith.constant 0 : i32
      %dma_start3A_48 = tpu.memref_slice %arg5[%arg0, %mul3A_2, %dma_start3A] : memref<2x10240x128xf32, #tpu.memory_space<hbm>> -> memref<1x640x128xf32, #tpu.memory_space<hbm>>
      %dma_start3A_49 = tpu.memref_squeeze %dma_start3A_48 : memref<1x640x128xf32, #tpu.memory_space<hbm>> -> memref<640x128xf32, #tpu.memory_space<hbm>>
      %dma_start3A_50 = arith.constant 0 : i32
      %dma_start3A_51 = tpu.memref_slice %arg13[%mul3A_2, %dma_start3A_50] : memref<10240x128xf32, #tpu.memory_space<vmem_shared>> -> memref<640x128xf32, #tpu.memory_space<vmem_shared>>
      tpu.enqueue_dma source(%dma_start3A_51 : memref<640x128xf32, #tpu.memory_space<vmem_shared>>) target(%dma_start3A_49 : memref<640x128xf32, #tpu.memory_space<hbm>>) target_semaphore(%run_scoped3A_47 : memref<!tpu.dma_semaphore, #tpu.memory_space<semaphore_mem>>)
      %dma_wait3A_52 = arith.constant 0 : i32
      %dma_wait3A_53 = tpu.memref_slice %arg5[%arg0, %mul3A_2, %dma_wait3A_52] : memref<2x10240x128xf32, #tpu.memory_space<hbm>> -> memref<1x640x128xf32, #tpu.memory_space<hbm>>
      %dma_wait3A_54 = tpu.memref_squeeze %dma_wait3A_53 : memref<1x640x128xf32, #tpu.memory_space<hbm>> -> memref<640x128xf32, #tpu.memory_space<hbm>>
      %dma_wait3A_55 = arith.constant 0 : i32
      %dma_wait3A_56 = tpu.memref_slice %arg13[%mul3A_2, %dma_wait3A_55] : memref<10240x128xf32, #tpu.memory_space<vmem_shared>> -> memref<640x128xf32, #tpu.memory_space<vmem_shared>>
      tpu.wait_dma2 semaphore(%run_scoped3A_47 : memref<!tpu.dma_semaphore, #tpu.memory_space<semaphore_mem>>) src(%dma_wait3A_56 : memref<640x128xf32, #tpu.memory_space<vmem_shared>>) dst(%dma_wait3A_54 : memref<640x128xf32, #tpu.memory_space<hbm>>)
      tpu.yield
    }) : () -> ()
    return
  }
}

#map = affine_map<(d0, d1) -> (0, 0)>
#map1 = affine_map<(d0, d1) -> (0, 0, 0, 0)>
#map2 = affine_map<(d0, d1) -> (0, 0, 0)>
module attributes {stable_mosaic.version = 14 : i64} {
  func.func @_seg_sum(%arg0: i32, %arg1: i32, %arg2: memref<10240x128xf32, #tpu.memory_space<hbm>>, %arg3: memref<32x2x40x128xi32, #tpu.memory_space<hbm>>, %arg4: memref<32x2x40x128xi32, #tpu.memory_space<hbm>>, %arg5: memref<2x10240x128xf32, #tpu.memory_space<hbm>>, %arg6: memref<40x128xi32, #tpu.memory_space<vmem>>, %arg7: memref<40x128xi32, #tpu.memory_space<vmem>>, %arg8: memref<40x128xi32, #tpu.memory_space<vmem>>, %arg9: memref<128x128xf32, #tpu.memory_space<vmem>>, %arg10: memref<128x128xf32, #tpu.memory_space<vmem>>, %arg11: memref<!tpu.dma_semaphore, #tpu.memory_space<semaphore_mem>>, %arg12: memref<!tpu.dma_semaphore, #tpu.memory_space<semaphore_mem>>, %arg13: memref<10240x128xf32, #tpu.memory_space<vmem_shared>>) attributes {dimension_semantics = [#tpu.dimension_semantics<core_parallel>, #tpu.dimension_semantics<subcore_parallel>], iteration_bounds = array<i64: 2, 16>, scalar_prefetch = 0 : i64, scratch_operands = 8 : i64, tpu.core_type = #tpu.core_type<sc_vector_subcore>, window_params = [{transform_indices = #map}, {transform_indices = #map1}, {transform_indices = #map1}, {transform_indices = #map2}]} {
    %mul3A = arith.constant 2 : i32
    %mul3A_0 = arith.muli %arg1, %mul3A : i32
    %add3A = arith.addi %mul3A_0, %arg0 : i32
    %mul3A_1 = arith.constant 640 : i32
    %mul3A_2 = arith.muli %arg1, %mul3A_1 : i32
    %scan3A = arith.constant 0 : i32
    %scan3A_3 = arith.constant 0 : i32
    %scan3A_4 = arith.constant 1024 : i32
    %scan3A_5 = arith.addi %scan3A_3, %scan3A_4 : i32
    %scan3A_6 = arith.constant 1 : i32
    scf.for %scan3A_47 = %scan3A_3 to %scan3A_5 step %scan3A_6  : i32 {
      %broadcast_in_dim3A = arith.constant 0.000000e+00 : f32
      %broadcast_in_dim3A_48 = vector.broadcast %broadcast_in_dim3A : f32 to vector<16xf32>
      %jit3A = arith.constant 8 : i32
      %div3A = arith.divsi %scan3A_47, %jit3A : i32
      %sign3A = arith.constant 0 : i32
      %sign3A_49 = arith.cmpi sgt, %scan3A_47, %sign3A : i32
      %sign3A_50 = arith.extui %sign3A_49 : i1 to i32
      %sign3A_51 = arith.constant 0 : i32
      %sign3A_52 = arith.cmpi slt, %scan3A_47, %sign3A_51 : i32
      %sign3A_53 = arith.extui %sign3A_52 : i1 to i32
      %sign3A_54 = arith.subi %sign3A_50, %sign3A_53 : i32
      %sign3A_55 = arith.constant 0 : i32
      %sign3A_56 = arith.cmpi sgt, %jit3A, %sign3A_55 : i32
      %sign3A_57 = arith.extui %sign3A_56 : i1 to i32
      %sign3A_58 = arith.constant 0 : i32
      %sign3A_59 = arith.cmpi slt, %jit3A, %sign3A_58 : i32
      %sign3A_60 = arith.extui %sign3A_59 : i1 to i32
      %sign3A_61 = arith.subi %sign3A_57, %sign3A_60 : i32
      %ne3A = arith.cmpi ne, %sign3A_54, %sign3A_61 : i32
      %rem3A = arith.remsi %scan3A_47, %jit3A : i32
      %ne3A_62 = arith.constant 0 : i32
      %ne3A_63 = arith.cmpi ne, %rem3A, %ne3A_62 : i32
      %and3A = arith.andi %ne3A, %ne3A_63 : i1
      %sub3A = arith.constant 1 : i32
      %sub3A_64 = arith.subi %div3A, %sub3A : i32
      %select_n3A = arith.select %and3A, %sub3A_64, %div3A : i32
      %jit3A_65 = arith.constant 8 : i32
      %eq3A = arith.constant 0 : i32
      %eq3A_66 = arith.cmpi eq, %jit3A_65, %eq3A : i32
      %jit3A_67 = arith.constant 1 : i32
      %select_n3A_68 = arith.select %eq3A_66, %jit3A_67, %jit3A_65 : i32
      %rem3A_69 = arith.remsi %scan3A_47, %select_n3A_68 : i32
      %ne3A_70 = arith.constant 0 : i32
      %ne3A_71 = arith.cmpi ne, %rem3A_69, %ne3A_70 : i32
      %lt3A = arith.constant 0 : i32
      %lt3A_72 = arith.cmpi slt, %rem3A_69, %lt3A : i32
      %lt3A_73 = arith.constant 0 : i32
      %lt3A_74 = arith.cmpi slt, %select_n3A_68, %lt3A_73 : i32
      %ne3A_75 = arith.xori %lt3A_72, %lt3A_74 : i1
      %and3A_76 = arith.andi %ne3A_75, %ne3A_71 : i1
      %add3A_77 = arith.addi %rem3A_69, %select_n3A_68 : i32
      %select_n3A_78 = arith.select %and3A_76, %add3A_77, %rem3A_69 : i32
      %mul3A_79 = arith.constant 16 : i32
      %mul3A_80 = arith.muli %select_n3A_78, %mul3A_79 : i32
      %swap3A = arith.index_cast %select_n3A : i32 to index
      %swap3A_81 = arith.index_cast %mul3A_80 : i32 to index
      %swap3A_82 = tpu.vector_load %arg9[%swap3A, %swap3A_81] {strides = array<i32>} : memref<128x128xf32, #tpu.memory_space<vmem>>, vector<1x16xf32>,
      %swap3A_83 = vector.shape_cast %swap3A_82 : vector<1x16xf32> to vector<16xf32>
      %swap3A_84 = vector.shape_cast %broadcast_in_dim3A_48 : vector<16xf32> to vector<1x16xf32>
      tpu.vector_store %arg9[%swap3A, %swap3A_81], %swap3A_84 {strides = array<i32>} : memref<128x128xf32, #tpu.memory_space<vmem>>, vector<1x16xf32>,
    }
    %scan3A_7 = arith.constant 1024 : i32
    %add3A_8 = arith.constant 0 : i32
    %add3A_9 = arith.addi %mul3A_2, %add3A_8 : i32
    "tpu.region"() ({
      %run_scoped3A_47 = tpu.sem_alloc : memref<!tpu.dma_semaphore, #tpu.memory_space<semaphore_mem>>
      %dma_start3A = arith.constant 0 : i32
      %dma_start3A_48 = tpu.memref_slice %arg13[%add3A_9, %dma_start3A] : memref<10240x128xf32, #tpu.memory_space<vmem_shared>> -> memref<128x128xf32, #tpu.memory_space<vmem_shared>>
      %dma_start3A_49 = arith.constant 0 : i32
      %dma_start3A_50 = tpu.memref_slice %arg13[%add3A_9, %dma_start3A_49] : memref<10240x128xf32, #tpu.memory_space<vmem_shared>> -> memref<128x128xf32, #tpu.memory_space<vmem_shared>>
      tpu.enqueue_dma source(%arg9 : memref<128x128xf32, #tpu.memory_space<vmem>>) target(%dma_start3A_50 : memref<128x128xf32, #tpu.memory_space<vmem_shared>>) target_semaphore(%run_scoped3A_47 : memref<!tpu.dma_semaphore, #tpu.memory_space<semaphore_mem>>)
      %dma_wait3A_51 = arith.constant 0 : i32
      %dma_wait3A_52 = tpu.memref_slice %arg13[%add3A_9, %dma_wait3A_51] : memref<10240x128xf32, #tpu.memory_space<vmem_shared>> -> memref<128x128xf32, #tpu.memory_space<vmem_shared>>
      %dma_wait3A_53 = arith.constant 0 : i32
      %dma_wait3A_54 = tpu.memref_slice %arg13[%add3A_9, %dma_wait3A_53] : memref<10240x128xf32, #tpu.memory_space<vmem_shared>> -> memref<128x128xf32, #tpu.memory_space<vmem_shared>>
      tpu.wait_dma2 semaphore(%run_scoped3A_47 : memref<!tpu.dma_semaphore, #tpu.memory_space<semaphore_mem>>) src(%arg9 : memref<128x128xf32, #tpu.memory_space<vmem>>) dst(%dma_wait3A_54 : memref<128x128xf32, #tpu.memory_space<vmem_shared>>)
      tpu.yield
    }) : () -> ()
    %add3A_10 = arith.constant 128 : i32
    %add3A_11 = arith.addi %mul3A_2, %add3A_10 : i32
    "tpu.region"() ({
      %run_scoped3A_47 = tpu.sem_alloc : memref<!tpu.dma_semaphore, #tpu.memory_space<semaphore_mem>>
      %dma_start3A = arith.constant 0 : i32
      %dma_start3A_48 = tpu.memref_slice %arg13[%add3A_11, %dma_start3A] : memref<10240x128xf32, #tpu.memory_space<vmem_shared>> -> memref<128x128xf32, #tpu.memory_space<vmem_shared>>
      %dma_start3A_49 = arith.constant 0 : i32
      %dma_start3A_50 = tpu.memref_slice %arg13[%add3A_11, %dma_start3A_49] : memref<10240x128xf32, #tpu.memory_space<vmem_shared>> -> memref<128x128xf32, #tpu.memory_space<vmem_shared>>
      tpu.enqueue_dma source(%arg9 : memref<128x128xf32, #tpu.memory_space<vmem>>) target(%dma_start3A_50 : memref<128x128xf32, #tpu.memory_space<vmem_shared>>) target_semaphore(%run_scoped3A_47 : memref<!tpu.dma_semaphore, #tpu.memory_space<semaphore_mem>>)
      %dma_wait3A_51 = arith.constant 0 : i32
      %dma_wait3A_52 = tpu.memref_slice %arg13[%add3A_11, %dma_wait3A_51] : memref<10240x128xf32, #tpu.memory_space<vmem_shared>> -> memref<128x128xf32, #tpu.memory_space<vmem_shared>>
      %dma_wait3A_53 = arith.constant 0 : i32
      %dma_wait3A_54 = tpu.memref_slice %arg13[%add3A_11, %dma_wait3A_53] : memref<10240x128xf32, #tpu.memory_space<vmem_shared>> -> memref<128x128xf32, #tpu.memory_space<vmem_shared>>
      tpu.wait_dma2 semaphore(%run_scoped3A_47 : memref<!tpu.dma_semaphore, #tpu.memory_space<semaphore_mem>>) src(%arg9 : memref<128x128xf32, #tpu.memory_space<vmem>>) dst(%dma_wait3A_54 : memref<128x128xf32, #tpu.memory_space<vmem_shared>>)
      tpu.yield
    }) : () -> ()
    %add3A_12 = arith.constant 256 : i32
    %add3A_13 = arith.addi %mul3A_2, %add3A_12 : i32
    "tpu.region"() ({
      %run_scoped3A_47 = tpu.sem_alloc : memref<!tpu.dma_semaphore, #tpu.memory_space<semaphore_mem>>
      %dma_start3A = arith.constant 0 : i32
      %dma_start3A_48 = tpu.memref_slice %arg13[%add3A_13, %dma_start3A] : memref<10240x128xf32, #tpu.memory_space<vmem_shared>> -> memref<128x128xf32, #tpu.memory_space<vmem_shared>>
      %dma_start3A_49 = arith.constant 0 : i32
      %dma_start3A_50 = tpu.memref_slice %arg13[%add3A_13, %dma_start3A_49] : memref<10240x128xf32, #tpu.memory_space<vmem_shared>> -> memref<128x128xf32, #tpu.memory_space<vmem_shared>>
      tpu.enqueue_dma source(%arg9 : memref<128x128xf32, #tpu.memory_space<vmem>>) target(%dma_start3A_50 : memref<128x128xf32, #tpu.memory_space<vmem_shared>>) target_semaphore(%run_scoped3A_47 : memref<!tpu.dma_semaphore, #tpu.memory_space<semaphore_mem>>)
      %dma_wait3A_51 = arith.constant 0 : i32
      %dma_wait3A_52 = tpu.memref_slice %arg13[%add3A_13, %dma_wait3A_51] : memref<10240x128xf32, #tpu.memory_space<vmem_shared>> -> memref<128x128xf32, #tpu.memory_space<vmem_shared>>
      %dma_wait3A_53 = arith.constant 0 : i32
      %dma_wait3A_54 = tpu.memref_slice %arg13[%add3A_13, %dma_wait3A_53] : memref<10240x128xf32, #tpu.memory_space<vmem_shared>> -> memref<128x128xf32, #tpu.memory_space<vmem_shared>>
      tpu.wait_dma2 semaphore(%run_scoped3A_47 : memref<!tpu.dma_semaphore, #tpu.memory_space<semaphore_mem>>) src(%arg9 : memref<128x128xf32, #tpu.memory_space<vmem>>) dst(%dma_wait3A_54 : memref<128x128xf32, #tpu.memory_space<vmem_shared>>)
      tpu.yield
    }) : () -> ()
    %add3A_14 = arith.constant 384 : i32
    %add3A_15 = arith.addi %mul3A_2, %add3A_14 : i32
    "tpu.region"() ({
      %run_scoped3A_47 = tpu.sem_alloc : memref<!tpu.dma_semaphore, #tpu.memory_space<semaphore_mem>>
      %dma_start3A = arith.constant 0 : i32
      %dma_start3A_48 = tpu.memref_slice %arg13[%add3A_15, %dma_start3A] : memref<10240x128xf32, #tpu.memory_space<vmem_shared>> -> memref<128x128xf32, #tpu.memory_space<vmem_shared>>
      %dma_start3A_49 = arith.constant 0 : i32
      %dma_start3A_50 = tpu.memref_slice %arg13[%add3A_15, %dma_start3A_49] : memref<10240x128xf32, #tpu.memory_space<vmem_shared>> -> memref<128x128xf32, #tpu.memory_space<vmem_shared>>
      tpu.enqueue_dma source(%arg9 : memref<128x128xf32, #tpu.memory_space<vmem>>) target(%dma_start3A_50 : memref<128x128xf32, #tpu.memory_space<vmem_shared>>) target_semaphore(%run_scoped3A_47 : memref<!tpu.dma_semaphore, #tpu.memory_space<semaphore_mem>>)
      %dma_wait3A_51 = arith.constant 0 : i32
      %dma_wait3A_52 = tpu.memref_slice %arg13[%add3A_15, %dma_wait3A_51] : memref<10240x128xf32, #tpu.memory_space<vmem_shared>> -> memref<128x128xf32, #tpu.memory_space<vmem_shared>>
      %dma_wait3A_53 = arith.constant 0 : i32
      %dma_wait3A_54 = tpu.memref_slice %arg13[%add3A_15, %dma_wait3A_53] : memref<10240x128xf32, #tpu.memory_space<vmem_shared>> -> memref<128x128xf32, #tpu.memory_space<vmem_shared>>
      tpu.wait_dma2 semaphore(%run_scoped3A_47 : memref<!tpu.dma_semaphore, #tpu.memory_space<semaphore_mem>>) src(%arg9 : memref<128x128xf32, #tpu.memory_space<vmem>>) dst(%dma_wait3A_54 : memref<128x128xf32, #tpu.memory_space<vmem_shared>>)
      tpu.yield
    }) : () -> ()
    %add3A_16 = arith.constant 512 : i32
    %add3A_17 = arith.addi %mul3A_2, %add3A_16 : i32
    "tpu.region"() ({
      %run_scoped3A_47 = tpu.sem_alloc : memref<!tpu.dma_semaphore, #tpu.memory_space<semaphore_mem>>
      %dma_start3A = arith.constant 0 : i32
      %dma_start3A_48 = tpu.memref_slice %arg13[%add3A_17, %dma_start3A] : memref<10240x128xf32, #tpu.memory_space<vmem_shared>> -> memref<128x128xf32, #tpu.memory_space<vmem_shared>>
      %dma_start3A_49 = arith.constant 0 : i32
      %dma_start3A_50 = tpu.memref_slice %arg13[%add3A_17, %dma_start3A_49] : memref<10240x128xf32, #tpu.memory_space<vmem_shared>> -> memref<128x128xf32, #tpu.memory_space<vmem_shared>>
      tpu.enqueue_dma source(%arg9 : memref<128x128xf32, #tpu.memory_space<vmem>>) target(%dma_start3A_50 : memref<128x128xf32, #tpu.memory_space<vmem_shared>>) target_semaphore(%run_scoped3A_47 : memref<!tpu.dma_semaphore, #tpu.memory_space<semaphore_mem>>)
      %dma_wait3A_51 = arith.constant 0 : i32
      %dma_wait3A_52 = tpu.memref_slice %arg13[%add3A_17, %dma_wait3A_51] : memref<10240x128xf32, #tpu.memory_space<vmem_shared>> -> memref<128x128xf32, #tpu.memory_space<vmem_shared>>
      %dma_wait3A_53 = arith.constant 0 : i32
      %dma_wait3A_54 = tpu.memref_slice %arg13[%add3A_17, %dma_wait3A_53] : memref<10240x128xf32, #tpu.memory_space<vmem_shared>> -> memref<128x128xf32, #tpu.memory_space<vmem_shared>>
      tpu.wait_dma2 semaphore(%run_scoped3A_47 : memref<!tpu.dma_semaphore, #tpu.memory_space<semaphore_mem>>) src(%arg9 : memref<128x128xf32, #tpu.memory_space<vmem>>) dst(%dma_wait3A_54 : memref<128x128xf32, #tpu.memory_space<vmem_shared>>)
      tpu.yield
    }) : () -> ()
    %barrier3A = arith.constant 0 : index
    tpu.barrier barrier_id(%barrier3A)
    %run_scoped3A = arith.constant 0 : i32
    "tpu.region"() ({
      %run_scoped3A_47 = tpu.sem_alloc : memref<!tpu.dma_semaphore, #tpu.memory_space<semaphore_mem>>
      %dma_start3A = arith.constant 0 : i32
      %dma_start3A_48 = arith.constant 0 : i32
      %dma_start3A_49 = tpu.memref_slice %arg3[%add3A, %run_scoped3A, %dma_start3A, %dma_start3A_48] : memref<32x2x40x128xi32, #tpu.memory_space<hbm>> -> memref<1x1x40x128xi32, #tpu.memory_space<hbm>>
      %dma_start3A_50 = tpu.memref_squeeze %dma_start3A_49 : memref<1x1x40x128xi32, #tpu.memory_space<hbm>> -> memref<40x128xi32, #tpu.memory_space<hbm>>
      %dma_start3A_51 = arith.constant 0 : i32
      %dma_start3A_52 = arith.constant 0 : i32
      %dma_start3A_53 = tpu.memref_slice %arg3[%add3A, %run_scoped3A, %dma_start3A_51, %dma_start3A_52] : memref<32x2x40x128xi32, #tpu.memory_space<hbm>> -> memref<1x1x40x128xi32, #tpu.memory_space<hbm>>
      %dma_start3A_54 = tpu.memref_squeeze %dma_start3A_53 : memref<1x1x40x128xi32, #tpu.memory_space<hbm>> -> memref<40x128xi32, #tpu.memory_space<hbm>>
      tpu.enqueue_dma source(%dma_start3A_54 : memref<40x128xi32, #tpu.memory_space<hbm>>) target(%arg6 : memref<40x128xi32, #tpu.memory_space<vmem>>) target_semaphore(%run_scoped3A_47 : memref<!tpu.dma_semaphore, #tpu.memory_space<semaphore_mem>>)
      %dma_wait3A_55 = arith.constant 0 : i32
      %dma_wait3A_56 = arith.constant 0 : i32
      %dma_wait3A_57 = tpu.memref_slice %arg3[%add3A, %run_scoped3A, %dma_wait3A_55, %dma_wait3A_56] : memref<32x2x40x128xi32, #tpu.memory_space<hbm>> -> memref<1x1x40x128xi32, #tpu.memory_space<hbm>>
      %dma_wait3A_58 = tpu.memref_squeeze %dma_wait3A_57 : memref<1x1x40x128xi32, #tpu.memory_space<hbm>> -> memref<40x128xi32, #tpu.memory_space<hbm>>
      %dma_wait3A_59 = arith.constant 0 : i32
      %dma_wait3A_60 = arith.constant 0 : i32
      %dma_wait3A_61 = tpu.memref_slice %arg3[%add3A, %run_scoped3A, %dma_wait3A_59, %dma_wait3A_60] : memref<32x2x40x128xi32, #tpu.memory_space<hbm>> -> memref<1x1x40x128xi32, #tpu.memory_space<hbm>>
      %dma_wait3A_62 = tpu.memref_squeeze %dma_wait3A_61 : memref<1x1x40x128xi32, #tpu.memory_space<hbm>> -> memref<40x128xi32, #tpu.memory_space<hbm>>
      tpu.wait_dma2 semaphore(%run_scoped3A_47 : memref<!tpu.dma_semaphore, #tpu.memory_space<semaphore_mem>>) src(%dma_wait3A_62 : memref<40x128xi32, #tpu.memory_space<hbm>>) dst(%arg6 : memref<40x128xi32, #tpu.memory_space<vmem>>)
      tpu.yield
    }) : () -> ()
    %run_scoped3A_18 = arith.constant 0 : i32
    "tpu.region"() ({
      %run_scoped3A_47 = tpu.sem_alloc : memref<!tpu.dma_semaphore, #tpu.memory_space<semaphore_mem>>
      %dma_start3A = arith.constant 0 : i32
      %dma_start3A_48 = arith.constant 0 : i32
      %dma_start3A_49 = tpu.memref_slice %arg4[%add3A, %run_scoped3A_18, %dma_start3A, %dma_start3A_48] : memref<32x2x40x128xi32, #tpu.memory_space<hbm>> -> memref<1x1x40x128xi32, #tpu.memory_space<hbm>>
      %dma_start3A_50 = tpu.memref_squeeze %dma_start3A_49 : memref<1x1x40x128xi32, #tpu.memory_space<hbm>> -> memref<40x128xi32, #tpu.memory_space<hbm>>
      %dma_start3A_51 = arith.constant 0 : i32
      %dma_start3A_52 = arith.constant 0 : i32
      %dma_start3A_53 = tpu.memref_slice %arg4[%add3A, %run_scoped3A_18, %dma_start3A_51, %dma_start3A_52] : memref<32x2x40x128xi32, #tpu.memory_space<hbm>> -> memref<1x1x40x128xi32, #tpu.memory_space<hbm>>
      %dma_start3A_54 = tpu.memref_squeeze %dma_start3A_53 : memref<1x1x40x128xi32, #tpu.memory_space<hbm>> -> memref<40x128xi32, #tpu.memory_space<hbm>>
      tpu.enqueue_dma source(%dma_start3A_54 : memref<40x128xi32, #tpu.memory_space<hbm>>) target(%arg7 : memref<40x128xi32, #tpu.memory_space<vmem>>) target_semaphore(%run_scoped3A_47 : memref<!tpu.dma_semaphore, #tpu.memory_space<semaphore_mem>>)
      %dma_wait3A_55 = arith.constant 0 : i32
      %dma_wait3A_56 = arith.constant 0 : i32
      %dma_wait3A_57 = tpu.memref_slice %arg4[%add3A, %run_scoped3A_18, %dma_wait3A_55, %dma_wait3A_56] : memref<32x2x40x128xi32, #tpu.memory_space<hbm>> -> memref<1x1x40x128xi32, #tpu.memory_space<hbm>>
      %dma_wait3A_58 = tpu.memref_squeeze %dma_wait3A_57 : memref<1x1x40x128xi32, #tpu.memory_space<hbm>> -> memref<40x128xi32, #tpu.memory_space<hbm>>
      %dma_wait3A_59 = arith.constant 0 : i32
      %dma_wait3A_60 = arith.constant 0 : i32
      %dma_wait3A_61 = tpu.memref_slice %arg4[%add3A, %run_scoped3A_18, %dma_wait3A_59, %dma_wait3A_60] : memref<32x2x40x128xi32, #tpu.memory_space<hbm>> -> memref<1x1x40x128xi32, #tpu.memory_space<hbm>>
      %dma_wait3A_62 = tpu.memref_squeeze %dma_wait3A_61 : memref<1x1x40x128xi32, #tpu.memory_space<hbm>> -> memref<40x128xi32, #tpu.memory_space<hbm>>
      tpu.wait_dma2 semaphore(%run_scoped3A_47 : memref<!tpu.dma_semaphore, #tpu.memory_space<semaphore_mem>>) src(%dma_wait3A_62 : memref<40x128xi32, #tpu.memory_space<hbm>>) dst(%arg7 : memref<40x128xi32, #tpu.memory_space<vmem>>)
      tpu.yield
    }) : () -> ()
    %scan3A_19 = arith.constant 0 : i32
    %scan3A_20 = arith.constant 0 : i32
    %scan3A_21 = arith.constant 20 : i32
    %scan3A_22 = arith.addi %scan3A_20, %scan3A_21 : i32
    %scan3A_23 = arith.constant 1 : i32
    scf.for %scan3A_47 = %scan3A_20 to %scan3A_22 step %scan3A_23  : i32 {
      %mul3A_48 = arith.constant 2 : i32
      %mul3A_49 = arith.muli %scan3A_47, %mul3A_48 : i32
      %add3A_50 = arith.constant 0 : i32
      %add3A_51 = arith.addi %mul3A_49, %add3A_50 : i32
      %gt3A = arith.constant 0 : i32
      %gt3A_52 = arith.cmpi sgt, %scan3A_47, %gt3A : i32
      %convert_element_type3A = arith.extui %gt3A_52 : i1 to i32
      %cond3A = arith.constant 0 : i32
      %cond3A_53 = arith.cmpi ne, %convert_element_type3A, %cond3A : i32
      scf.if %cond3A_53 {
        %dma_wait3A_80 = arith.constant 0 : i32
        %dma_wait3A_81 = tpu.memref_slice %arg7[%add3A_51, %dma_wait3A_80] : memref<40x128xi32, #tpu.memory_space<vmem>> -> memref<1x128xi32, #tpu.memory_space<vmem>>
        %dma_wait3A_82 = tpu.memref_squeeze %dma_wait3A_81 : memref<1x128xi32, #tpu.memory_space<vmem>> -> memref<128xi32, #tpu.memory_space<vmem>>
        %dma_wait3A_83 = arith.constant 0 : i32
        %dma_wait3A_84 = arith.constant 0 : i32
        %dma_wait3A_85 = tpu.memref_slice %arg13[%dma_wait3A_83, %dma_wait3A_84] : memref<10240x128xf32, #tpu.memory_space<vmem_shared>> -> memref<10240x128xf32, #tpu.memory_space<vmem_shared>>
        tpu.wait_indirect_dma semaphore(%arg11 : memref<!tpu.dma_semaphore, #tpu.memory_space<semaphore_mem>>) src(%arg9 : memref<128x128xf32, #tpu.memory_space<vmem>>) dst(%dma_wait3A_85 : memref<10240x128xf32, #tpu.memory_space<vmem_shared>>)
      } else {
      }
      %add3A_54 = arith.constant 0 : i32
      %add3A_55 = arith.addi %mul3A_49, %add3A_54 : i32
      "tpu.region"() ({
        %run_scoped3A_80 = tpu.sem_alloc : memref<!tpu.dma_semaphore, #tpu.memory_space<semaphore_mem>>
        %dma_start3A_81 = arith.constant 0 : i32
        %dma_start3A_82 = tpu.memref_slice %arg6[%add3A_55, %dma_start3A_81] : memref<40x128xi32, #tpu.memory_space<vmem>> -> memref<1x128xi32, #tpu.memory_space<vmem>>
        %dma_start3A_83 = tpu.memref_squeeze %dma_start3A_82 : memref<1x128xi32, #tpu.memory_space<vmem>> -> memref<128xi32, #tpu.memory_space<vmem>>
        %dma_start3A_84 = arith.constant 0 : i32
        %dma_start3A_85 = arith.constant 0 : i32
        %dma_start3A_86 = tpu.memref_slice %arg2[%dma_start3A_84, %dma_start3A_85] : memref<10240x128xf32, #tpu.memory_space<hbm>> -> memref<10240x128xf32, #tpu.memory_space<hbm>>
        tpu.enqueue_indirect_dma source(%dma_start3A_86 : memref<10240x128xf32, #tpu.memory_space<hbm>>) target(%arg9 : memref<128x128xf32, #tpu.memory_space<vmem>>) offsets(%dma_start3A_83 : memref<128xi32, #tpu.memory_space<vmem>>) semaphore(%run_scoped3A_80 : memref<!tpu.dma_semaphore, #tpu.memory_space<semaphore_mem>>)
        %dma_wait3A_87 = arith.constant 0 : i32
        %dma_wait3A_88 = tpu.memref_slice %arg6[%add3A_55, %dma_wait3A_87] : memref<40x128xi32, #tpu.memory_space<vmem>> -> memref<1x128xi32, #tpu.memory_space<vmem>>
        %dma_wait3A_89 = tpu.memref_squeeze %dma_wait3A_88 : memref<1x128xi32, #tpu.memory_space<vmem>> -> memref<128xi32, #tpu.memory_space<vmem>>
        %dma_wait3A_90 = arith.constant 0 : i32
        %dma_wait3A_91 = arith.constant 0 : i32
        %dma_wait3A_92 = tpu.memref_slice %arg2[%dma_wait3A_90, %dma_wait3A_91] : memref<10240x128xf32, #tpu.memory_space<hbm>> -> memref<10240x128xf32, #tpu.memory_space<hbm>>
        tpu.wait_indirect_dma semaphore(%run_scoped3A_80 : memref<!tpu.dma_semaphore, #tpu.memory_space<semaphore_mem>>) src(%dma_wait3A_92 : memref<10240x128xf32, #tpu.memory_space<hbm>>) dst(%arg9 : memref<128x128xf32, #tpu.memory_space<vmem>>)
        tpu.yield
      }) : () -> ()
      %add3A_56 = arith.constant 0 : i32
      %add3A_57 = arith.addi %mul3A_49, %add3A_56 : i32
      %dma_start3A = arith.constant 0 : i32
      %dma_start3A_58 = tpu.memref_slice %arg7[%add3A_57, %dma_start3A] : memref<40x128xi32, #tpu.memory_space<vmem>> -> memref<1x128xi32, #tpu.memory_space<vmem>>
      %dma_start3A_59 = tpu.memref_squeeze %dma_start3A_58 : memref<1x128xi32, #tpu.memory_space<vmem>> -> memref<128xi32, #tpu.memory_space<vmem>>
      %dma_start3A_60 = arith.constant 0 : i32
      %dma_start3A_61 = arith.constant 0 : i32
      %dma_start3A_62 = tpu.memref_slice %arg13[%dma_start3A_60, %dma_start3A_61] : memref<10240x128xf32, #tpu.memory_space<vmem_shared>> -> memref<10240x128xf32, #tpu.memory_space<vmem_shared>>
      tpu.enqueue_indirect_dma source(%arg9 : memref<128x128xf32, #tpu.memory_space<vmem>>) target(%dma_start3A_62 : memref<10240x128xf32, #tpu.memory_space<vmem_shared>>) offsets(%dma_start3A_59 : memref<128xi32, #tpu.memory_space<vmem>>) semaphore(%arg11 : memref<!tpu.dma_semaphore, #tpu.memory_space<semaphore_mem>>) {add = true}
      %add3A_63 = arith.constant 1 : i32
      %add3A_64 = arith.addi %mul3A_49, %add3A_63 : i32
      %gt3A_65 = arith.constant 0 : i32
      %gt3A_66 = arith.cmpi sgt, %scan3A_47, %gt3A_65 : i32
      %convert_element_type3A_67 = arith.extui %gt3A_66 : i1 to i32
      %cond3A_68 = arith.constant 0 : i32
      %cond3A_69 = arith.cmpi ne, %convert_element_type3A_67, %cond3A_68 : i32
      scf.if %cond3A_69 {
        %dma_wait3A_80 = arith.constant 0 : i32
        %dma_wait3A_81 = tpu.memref_slice %arg7[%add3A_64, %dma_wait3A_80] : memref<40x128xi32, #tpu.memory_space<vmem>> -> memref<1x128xi32, #tpu.memory_space<vmem>>
        %dma_wait3A_82 = tpu.memref_squeeze %dma_wait3A_81 : memref<1x128xi32, #tpu.memory_space<vmem>> -> memref<128xi32, #tpu.memory_space<vmem>>
        %dma_wait3A_83 = arith.constant 0 : i32
        %dma_wait3A_84 = arith.constant 0 : i32
        %dma_wait3A_85 = tpu.memref_slice %arg13[%dma_wait3A_83, %dma_wait3A_84] : memref<10240x128xf32, #tpu.memory_space<vmem_shared>> -> memref<10240x128xf32, #tpu.memory_space<vmem_shared>>
        tpu.wait_indirect_dma semaphore(%arg12 : memref<!tpu.dma_semaphore, #tpu.memory_space<semaphore_mem>>) src(%arg10 : memref<128x128xf32, #tpu.memory_space<vmem>>) dst(%dma_wait3A_85 : memref<10240x128xf32, #tpu.memory_space<vmem_shared>>)
      } else {
      }
      %add3A_70 = arith.constant 1 : i32
      %add3A_71 = arith.addi %mul3A_49, %add3A_70 : i32
      "tpu.region"() ({
        %run_scoped3A_80 = tpu.sem_alloc : memref<!tpu.dma_semaphore, #tpu.memory_space<semaphore_mem>>
        %dma_start3A_81 = arith.constant 0 : i32
        %dma_start3A_82 = tpu.memref_slice %arg6[%add3A_71, %dma_start3A_81] : memref<40x128xi32, #tpu.memory_space<vmem>> -> memref<1x128xi32, #tpu.memory_space<vmem>>
        %dma_start3A_83 = tpu.memref_squeeze %dma_start3A_82 : memref<1x128xi32, #tpu.memory_space<vmem>> -> memref<128xi32, #tpu.memory_space<vmem>>
        %dma_start3A_84 = arith.constant 0 : i32
        %dma_start3A_85 = arith.constant 0 : i32
        %dma_start3A_86 = tpu.memref_slice %arg2[%dma_start3A_84, %dma_start3A_85] : memref<10240x128xf32, #tpu.memory_space<hbm>> -> memref<10240x128xf32, #tpu.memory_space<hbm>>
        tpu.enqueue_indirect_dma source(%dma_start3A_86 : memref<10240x128xf32, #tpu.memory_space<hbm>>) target(%arg10 : memref<128x128xf32, #tpu.memory_space<vmem>>) offsets(%dma_start3A_83 : memref<128xi32, #tpu.memory_space<vmem>>) semaphore(%run_scoped3A_80 : memref<!tpu.dma_semaphore, #tpu.memory_space<semaphore_mem>>)
        %dma_wait3A_87 = arith.constant 0 : i32
        %dma_wait3A_88 = tpu.memref_slice %arg6[%add3A_71, %dma_wait3A_87] : memref<40x128xi32, #tpu.memory_space<vmem>> -> memref<1x128xi32, #tpu.memory_space<vmem>>
        %dma_wait3A_89 = tpu.memref_squeeze %dma_wait3A_88 : memref<1x128xi32, #tpu.memory_space<vmem>> -> memref<128xi32, #tpu.memory_space<vmem>>
        %dma_wait3A_90 = arith.constant 0 : i32
        %dma_wait3A_91 = arith.constant 0 : i32
        %dma_wait3A_92 = tpu.memref_slice %arg2[%dma_wait3A_90, %dma_wait3A_91] : memref<10240x128xf32, #tpu.memory_space<hbm>> -> memref<10240x128xf32, #tpu.memory_space<hbm>>
        tpu.wait_indirect_dma semaphore(%run_scoped3A_80 : memref<!tpu.dma_semaphore, #tpu.memory_space<semaphore_mem>>) src(%dma_wait3A_92 : memref<10240x128xf32, #tpu.memory_space<hbm>>) dst(%arg10 : memref<128x128xf32, #tpu.memory_space<vmem>>)
        tpu.yield
      }) : () -> ()
      %add3A_72 = arith.constant 1 : i32
      %add3A_73 = arith.addi %mul3A_49, %add3A_72 : i32
      %dma_start3A_74 = arith.constant 0 : i32
      %dma_start3A_75 = tpu.memref_slice %arg7[%add3A_73, %dma_start3A_74] : memref<40x128xi32, #tpu.memory_space<vmem>> -> memref<1x128xi32, #tpu.memory_space<vmem>>
      %dma_start3A_76 = tpu.memref_squeeze %dma_start3A_75 : memref<1x128xi32, #tpu.memory_space<vmem>> -> memref<128xi32, #tpu.memory_space<vmem>>
      %dma_start3A_77 = arith.constant 0 : i32
      %dma_start3A_78 = arith.constant 0 : i32
      %dma_start3A_79 = tpu.memref_slice %arg13[%dma_start3A_77, %dma_start3A_78] : memref<10240x128xf32, #tpu.memory_space<vmem_shared>> -> memref<10240x128xf32, #tpu.memory_space<vmem_shared>>
      tpu.enqueue_indirect_dma source(%arg10 : memref<128x128xf32, #tpu.memory_space<vmem>>) target(%dma_start3A_79 : memref<10240x128xf32, #tpu.memory_space<vmem_shared>>) offsets(%dma_start3A_76 : memref<128xi32, #tpu.memory_space<vmem>>) semaphore(%arg12 : memref<!tpu.dma_semaphore, #tpu.memory_space<semaphore_mem>>) {add = true}
    }
    %scan3A_24 = arith.constant 20 : i32
    %run_scoped3A_25 = arith.constant 1 : i32
    "tpu.region"() ({
      %run_scoped3A_47 = tpu.sem_alloc : memref<!tpu.dma_semaphore, #tpu.memory_space<semaphore_mem>>
      %dma_start3A = arith.constant 0 : i32
      %dma_start3A_48 = arith.constant 0 : i32
      %dma_start3A_49 = tpu.memref_slice %arg3[%add3A, %run_scoped3A_25, %dma_start3A, %dma_start3A_48] : memref<32x2x40x128xi32, #tpu.memory_space<hbm>> -> memref<1x1x40x128xi32, #tpu.memory_space<hbm>>
      %dma_start3A_50 = tpu.memref_squeeze %dma_start3A_49 : memref<1x1x40x128xi32, #tpu.memory_space<hbm>> -> memref<40x128xi32, #tpu.memory_space<hbm>>
      %dma_start3A_51 = arith.constant 0 : i32
      %dma_start3A_52 = arith.constant 0 : i32
      %dma_start3A_53 = tpu.memref_slice %arg3[%add3A, %run_scoped3A_25, %dma_start3A_51, %dma_start3A_52] : memref<32x2x40x128xi32, #tpu.memory_space<hbm>> -> memref<1x1x40x128xi32, #tpu.memory_space<hbm>>
      %dma_start3A_54 = tpu.memref_squeeze %dma_start3A_53 : memref<1x1x40x128xi32, #tpu.memory_space<hbm>> -> memref<40x128xi32, #tpu.memory_space<hbm>>
      tpu.enqueue_dma source(%dma_start3A_54 : memref<40x128xi32, #tpu.memory_space<hbm>>) target(%arg6 : memref<40x128xi32, #tpu.memory_space<vmem>>) target_semaphore(%run_scoped3A_47 : memref<!tpu.dma_semaphore, #tpu.memory_space<semaphore_mem>>)
      %dma_wait3A_55 = arith.constant 0 : i32
      %dma_wait3A_56 = arith.constant 0 : i32
      %dma_wait3A_57 = tpu.memref_slice %arg3[%add3A, %run_scoped3A_25, %dma_wait3A_55, %dma_wait3A_56] : memref<32x2x40x128xi32, #tpu.memory_space<hbm>> -> memref<1x1x40x128xi32, #tpu.memory_space<hbm>>
      %dma_wait3A_58 = tpu.memref_squeeze %dma_wait3A_57 : memref<1x1x40x128xi32, #tpu.memory_space<hbm>> -> memref<40x128xi32, #tpu.memory_space<hbm>>
      %dma_wait3A_59 = arith.constant 0 : i32
      %dma_wait3A_60 = arith.constant 0 : i32
      %dma_wait3A_61 = tpu.memref_slice %arg3[%add3A, %run_scoped3A_25, %dma_wait3A_59, %dma_wait3A_60] : memref<32x2x40x128xi32, #tpu.memory_space<hbm>> -> memref<1x1x40x128xi32, #tpu.memory_space<hbm>>
      %dma_wait3A_62 = tpu.memref_squeeze %dma_wait3A_61 : memref<1x1x40x128xi32, #tpu.memory_space<hbm>> -> memref<40x128xi32, #tpu.memory_space<hbm>>
      tpu.wait_dma2 semaphore(%run_scoped3A_47 : memref<!tpu.dma_semaphore, #tpu.memory_space<semaphore_mem>>) src(%dma_wait3A_62 : memref<40x128xi32, #tpu.memory_space<hbm>>) dst(%arg6 : memref<40x128xi32, #tpu.memory_space<vmem>>)
      tpu.yield
    }) : () -> ()
    %run_scoped3A_26 = arith.constant 1 : i32
    "tpu.region"() ({
      %run_scoped3A_47 = tpu.sem_alloc : memref<!tpu.dma_semaphore, #tpu.memory_space<semaphore_mem>>
      %dma_start3A = arith.constant 0 : i32
      %dma_start3A_48 = arith.constant 0 : i32
      %dma_start3A_49 = tpu.memref_slice %arg4[%add3A, %run_scoped3A_26, %dma_start3A, %dma_start3A_48] : memref<32x2x40x128xi32, #tpu.memory_space<hbm>> -> memref<1x1x40x128xi32, #tpu.memory_space<hbm>>
      %dma_start3A_50 = tpu.memref_squeeze %dma_start3A_49 : memref<1x1x40x128xi32, #tpu.memory_space<hbm>> -> memref<40x128xi32, #tpu.memory_space<hbm>>
      %dma_start3A_51 = arith.constant 0 : i32
      %dma_start3A_52 = arith.constant 0 : i32
      %dma_start3A_53 = tpu.memref_slice %arg4[%add3A, %run_scoped3A_26, %dma_start3A_51, %dma_start3A_52] : memref<32x2x40x128xi32, #tpu.memory_space<hbm>> -> memref<1x1x40x128xi32, #tpu.memory_space<hbm>>
      %dma_start3A_54 = tpu.memref_squeeze %dma_start3A_53 : memref<1x1x40x128xi32, #tpu.memory_space<hbm>> -> memref<40x128xi32, #tpu.memory_space<hbm>>
      tpu.enqueue_dma source(%dma_start3A_54 : memref<40x128xi32, #tpu.memory_space<hbm>>) target(%arg8 : memref<40x128xi32, #tpu.memory_space<vmem>>) target_semaphore(%run_scoped3A_47 : memref<!tpu.dma_semaphore, #tpu.memory_space<semaphore_mem>>)
      %dma_wait3A_55 = arith.constant 0 : i32
      %dma_wait3A_56 = arith.constant 0 : i32
      %dma_wait3A_57 = tpu.memref_slice %arg4[%add3A, %run_scoped3A_26, %dma_wait3A_55, %dma_wait3A_56] : memref<32x2x40x128xi32, #tpu.memory_space<hbm>> -> memref<1x1x40x128xi32, #tpu.memory_space<hbm>>
      %dma_wait3A_58 = tpu.memref_squeeze %dma_wait3A_57 : memref<1x1x40x128xi32, #tpu.memory_space<hbm>> -> memref<40x128xi32, #tpu.memory_space<hbm>>
      %dma_wait3A_59 = arith.constant 0 : i32
      %dma_wait3A_60 = arith.constant 0 : i32
      %dma_wait3A_61 = tpu.memref_slice %arg4[%add3A, %run_scoped3A_26, %dma_wait3A_59, %dma_wait3A_60] : memref<32x2x40x128xi32, #tpu.memory_space<hbm>> -> memref<1x1x40x128xi32, #tpu.memory_space<hbm>>
      %dma_wait3A_62 = tpu.memref_squeeze %dma_wait3A_61 : memref<1x1x40x128xi32, #tpu.memory_space<hbm>> -> memref<40x128xi32, #tpu.memory_space<hbm>>
      tpu.wait_dma2 semaphore(%run_scoped3A_47 : memref<!tpu.dma_semaphore, #tpu.memory_space<semaphore_mem>>) src(%dma_wait3A_62 : memref<40x128xi32, #tpu.memory_space<hbm>>) dst(%arg8 : memref<40x128xi32, #tpu.memory_space<vmem>>)
      tpu.yield
    }) : () -> ()
    %scan3A_27 = arith.constant 0 : i32
    %scan3A_28 = arith.constant 0 : i32
    %scan3A_29 = arith.constant 20 : i32
    %scan3A_30 = arith.addi %scan3A_28, %scan3A_29 : i32
    %scan3A_31 = arith.constant 1 : i32
    scf.for %scan3A_47 = %scan3A_28 to %scan3A_30 step %scan3A_31  : i32 {
      %mul3A_48 = arith.constant 2 : i32
      %mul3A_49 = arith.muli %scan3A_47, %mul3A_48 : i32
      %add3A_50 = arith.constant 0 : i32
      %add3A_51 = arith.addi %mul3A_49, %add3A_50 : i32
      %dma_wait3A_52 = arith.constant 0 : i32
      %dma_wait3A_53 = tpu.memref_slice %arg8[%add3A_51, %dma_wait3A_52] : memref<40x128xi32, #tpu.memory_space<vmem>> -> memref<1x128xi32, #tpu.memory_space<vmem>>
      %dma_wait3A_54 = tpu.memref_squeeze %dma_wait3A_53 : memref<1x128xi32, #tpu.memory_space<vmem>> -> memref<128xi32, #tpu.memory_space<vmem>>
      %dma_wait3A_55 = arith.constant 0 : i32
      %dma_wait3A_56 = arith.constant 0 : i32
      %dma_wait3A_57 = tpu.memref_slice %arg13[%dma_wait3A_55, %dma_wait3A_56] : memref<10240x128xf32, #tpu.memory_space<vmem_shared>> -> memref<10240x128xf32, #tpu.memory_space<vmem_shared>>
      tpu.wait_indirect_dma semaphore(%arg11 : memref<!tpu.dma_semaphore, #tpu.memory_space<semaphore_mem>>) src(%arg9 : memref<128x128xf32, #tpu.memory_space<vmem>>) dst(%dma_wait3A_57 : memref<10240x128xf32, #tpu.memory_space<vmem_shared>>)
      %add3A_58 = arith.constant 0 : i32
      %add3A_59 = arith.addi %mul3A_49, %add3A_58 : i32
      "tpu.region"() ({
        %run_scoped3A_85 = tpu.sem_alloc : memref<!tpu.dma_semaphore, #tpu.memory_space<semaphore_mem>>
        %dma_start3A_86 = arith.constant 0 : i32
        %dma_start3A_87 = tpu.memref_slice %arg6[%add3A_59, %dma_start3A_86] : memref<40x128xi32, #tpu.memory_space<vmem>> -> memref<1x128xi32, #tpu.memory_space<vmem>>
        %dma_start3A_88 = tpu.memref_squeeze %dma_start3A_87 : memref<1x128xi32, #tpu.memory_space<vmem>> -> memref<128xi32, #tpu.memory_space<vmem>>
        %dma_start3A_89 = arith.constant 0 : i32
        %dma_start3A_90 = arith.constant 0 : i32
        %dma_start3A_91 = tpu.memref_slice %arg2[%dma_start3A_89, %dma_start3A_90] : memref<10240x128xf32, #tpu.memory_space<hbm>> -> memref<10240x128xf32, #tpu.memory_space<hbm>>
        tpu.enqueue_indirect_dma source(%dma_start3A_91 : memref<10240x128xf32, #tpu.memory_space<hbm>>) target(%arg9 : memref<128x128xf32, #tpu.memory_space<vmem>>) offsets(%dma_start3A_88 : memref<128xi32, #tpu.memory_space<vmem>>) semaphore(%run_scoped3A_85 : memref<!tpu.dma_semaphore, #tpu.memory_space<semaphore_mem>>)
        %dma_wait3A_92 = arith.constant 0 : i32
        %dma_wait3A_93 = tpu.memref_slice %arg6[%add3A_59, %dma_wait3A_92] : memref<40x128xi32, #tpu.memory_space<vmem>> -> memref<1x128xi32, #tpu.memory_space<vmem>>
        %dma_wait3A_94 = tpu.memref_squeeze %dma_wait3A_93 : memref<1x128xi32, #tpu.memory_space<vmem>> -> memref<128xi32, #tpu.memory_space<vmem>>
        %dma_wait3A_95 = arith.constant 0 : i32
        %dma_wait3A_96 = arith.constant 0 : i32
        %dma_wait3A_97 = tpu.memref_slice %arg2[%dma_wait3A_95, %dma_wait3A_96] : memref<10240x128xf32, #tpu.memory_space<hbm>> -> memref<10240x128xf32, #tpu.memory_space<hbm>>
        tpu.wait_indirect_dma semaphore(%run_scoped3A_85 : memref<!tpu.dma_semaphore, #tpu.memory_space<semaphore_mem>>) src(%dma_wait3A_97 : memref<10240x128xf32, #tpu.memory_space<hbm>>) dst(%arg9 : memref<128x128xf32, #tpu.memory_space<vmem>>)
        tpu.yield
      }) : () -> ()
      %add3A_60 = arith.constant 0 : i32
      %add3A_61 = arith.addi %mul3A_49, %add3A_60 : i32
      %dma_start3A = arith.constant 0 : i32
      %dma_start3A_62 = tpu.memref_slice %arg8[%add3A_61, %dma_start3A] : memref<40x128xi32, #tpu.memory_space<vmem>> -> memref<1x128xi32, #tpu.memory_space<vmem>>
      %dma_start3A_63 = tpu.memref_squeeze %dma_start3A_62 : memref<1x128xi32, #tpu.memory_space<vmem>> -> memref<128xi32, #tpu.memory_space<vmem>>
      %dma_start3A_64 = arith.constant 0 : i32
      %dma_start3A_65 = arith.constant 0 : i32
      %dma_start3A_66 = tpu.memref_slice %arg13[%dma_start3A_64, %dma_start3A_65] : memref<10240x128xf32, #tpu.memory_space<vmem_shared>> -> memref<10240x128xf32, #tpu.memory_space<vmem_shared>>
      tpu.enqueue_indirect_dma source(%arg9 : memref<128x128xf32, #tpu.memory_space<vmem>>) target(%dma_start3A_66 : memref<10240x128xf32, #tpu.memory_space<vmem_shared>>) offsets(%dma_start3A_63 : memref<128xi32, #tpu.memory_space<vmem>>) semaphore(%arg11 : memref<!tpu.dma_semaphore, #tpu.memory_space<semaphore_mem>>) {add = true}
      %add3A_67 = arith.constant 1 : i32
      %add3A_68 = arith.addi %mul3A_49, %add3A_67 : i32
      %dma_wait3A_69 = arith.constant 0 : i32
      %dma_wait3A_70 = tpu.memref_slice %arg8[%add3A_68, %dma_wait3A_69] : memref<40x128xi32, #tpu.memory_space<vmem>> -> memref<1x128xi32, #tpu.memory_space<vmem>>
      %dma_wait3A_71 = tpu.memref_squeeze %dma_wait3A_70 : memref<1x128xi32, #tpu.memory_space<vmem>> -> memref<128xi32, #tpu.memory_space<vmem>>
      %dma_wait3A_72 = arith.constant 0 : i32
      %dma_wait3A_73 = arith.constant 0 : i32
      %dma_wait3A_74 = tpu.memref_slice %arg13[%dma_wait3A_72, %dma_wait3A_73] : memref<10240x128xf32, #tpu.memory_space<vmem_shared>> -> memref<10240x128xf32, #tpu.memory_space<vmem_shared>>
      tpu.wait_indirect_dma semaphore(%arg12 : memref<!tpu.dma_semaphore, #tpu.memory_space<semaphore_mem>>) src(%arg10 : memref<128x128xf32, #tpu.memory_space<vmem>>) dst(%dma_wait3A_74 : memref<10240x128xf32, #tpu.memory_space<vmem_shared>>)
      %add3A_75 = arith.constant 1 : i32
      %add3A_76 = arith.addi %mul3A_49, %add3A_75 : i32
      "tpu.region"() ({
        %run_scoped3A_85 = tpu.sem_alloc : memref<!tpu.dma_semaphore, #tpu.memory_space<semaphore_mem>>
        %dma_start3A_86 = arith.constant 0 : i32
        %dma_start3A_87 = tpu.memref_slice %arg6[%add3A_76, %dma_start3A_86] : memref<40x128xi32, #tpu.memory_space<vmem>> -> memref<1x128xi32, #tpu.memory_space<vmem>>
        %dma_start3A_88 = tpu.memref_squeeze %dma_start3A_87 : memref<1x128xi32, #tpu.memory_space<vmem>> -> memref<128xi32, #tpu.memory_space<vmem>>
        %dma_start3A_89 = arith.constant 0 : i32
        %dma_start3A_90 = arith.constant 0 : i32
        %dma_start3A_91 = tpu.memref_slice %arg2[%dma_start3A_89, %dma_start3A_90] : memref<10240x128xf32, #tpu.memory_space<hbm>> -> memref<10240x128xf32, #tpu.memory_space<hbm>>
        tpu.enqueue_indirect_dma source(%dma_start3A_91 : memref<10240x128xf32, #tpu.memory_space<hbm>>) target(%arg10 : memref<128x128xf32, #tpu.memory_space<vmem>>) offsets(%dma_start3A_88 : memref<128xi32, #tpu.memory_space<vmem>>) semaphore(%run_scoped3A_85 : memref<!tpu.dma_semaphore, #tpu.memory_space<semaphore_mem>>)
        %dma_wait3A_92 = arith.constant 0 : i32
        %dma_wait3A_93 = tpu.memref_slice %arg6[%add3A_76, %dma_wait3A_92] : memref<40x128xi32, #tpu.memory_space<vmem>> -> memref<1x128xi32, #tpu.memory_space<vmem>>
        %dma_wait3A_94 = tpu.memref_squeeze %dma_wait3A_93 : memref<1x128xi32, #tpu.memory_space<vmem>> -> memref<128xi32, #tpu.memory_space<vmem>>
        %dma_wait3A_95 = arith.constant 0 : i32
        %dma_wait3A_96 = arith.constant 0 : i32
        %dma_wait3A_97 = tpu.memref_slice %arg2[%dma_wait3A_95, %dma_wait3A_96] : memref<10240x128xf32, #tpu.memory_space<hbm>> -> memref<10240x128xf32, #tpu.memory_space<hbm>>
        tpu.wait_indirect_dma semaphore(%run_scoped3A_85 : memref<!tpu.dma_semaphore, #tpu.memory_space<semaphore_mem>>) src(%dma_wait3A_97 : memref<10240x128xf32, #tpu.memory_space<hbm>>) dst(%arg10 : memref<128x128xf32, #tpu.memory_space<vmem>>)
        tpu.yield
      }) : () -> ()
      %add3A_77 = arith.constant 1 : i32
      %add3A_78 = arith.addi %mul3A_49, %add3A_77 : i32
      %dma_start3A_79 = arith.constant 0 : i32
      %dma_start3A_80 = tpu.memref_slice %arg8[%add3A_78, %dma_start3A_79] : memref<40x128xi32, #tpu.memory_space<vmem>> -> memref<1x128xi32, #tpu.memory_space<vmem>>
      %dma_start3A_81 = tpu.memref_squeeze %dma_start3A_80 : memref<1x128xi32, #tpu.memory_space<vmem>> -> memref<128xi32, #tpu.memory_space<vmem>>
      %dma_start3A_82 = arith.constant 0 : i32
      %dma_start3A_83 = arith.constant 0 : i32
      %dma_start3A_84 = tpu.memref_slice %arg13[%dma_start3A_82, %dma_start3A_83] : memref<10240x128xf32, #tpu.memory_space<vmem_shared>> -> memref<10240x128xf32, #tpu.memory_space<vmem_shared>>
      tpu.enqueue_indirect_dma source(%arg10 : memref<128x128xf32, #tpu.memory_space<vmem>>) target(%dma_start3A_84 : memref<10240x128xf32, #tpu.memory_space<vmem_shared>>) offsets(%dma_start3A_81 : memref<128xi32, #tpu.memory_space<vmem>>) semaphore(%arg12 : memref<!tpu.dma_semaphore, #tpu.memory_space<semaphore_mem>>) {add = true}
    }
    %scan3A_32 = arith.constant 20 : i32
    %dma_wait3A = arith.constant 38 : i32
    %dma_wait3A_33 = arith.constant 0 : i32
    %dma_wait3A_34 = tpu.memref_slice %arg8[%dma_wait3A, %dma_wait3A_33] : memref<40x128xi32, #tpu.memory_space<vmem>> -> memref<1x128xi32, #tpu.memory_space<vmem>>
    %dma_wait3A_35 = tpu.memref_squeeze %dma_wait3A_34 : memref<1x128xi32, #tpu.memory_space<vmem>> -> memref<128xi32, #tpu.memory_space<vmem>>
    %dma_wait3A_36 = arith.constant 0 : i32
    %dma_wait3A_37 = arith.constant 0 : i32
    %dma_wait3A_38 = tpu.memref_slice %arg13[%dma_wait3A_36, %dma_wait3A_37] : memref<10240x128xf32, #tpu.memory_space<vmem_shared>> -> memref<10240x128xf32, #tpu.memory_space<vmem_shared>>
    tpu.wait_indirect_dma semaphore(%arg11 : memref<!tpu.dma_semaphore, #tpu.memory_space<semaphore_mem>>) src(%arg9 : memref<128x128xf32, #tpu.memory_space<vmem>>) dst(%dma_wait3A_38 : memref<10240x128xf32, #tpu.memory_space<vmem_shared>>)
    %dma_wait3A_39 = arith.constant 39 : i32
    %dma_wait3A_40 = arith.constant 0 : i32
    %dma_wait3A_41 = tpu.memref_slice %arg8[%dma_wait3A_39, %dma_wait3A_40] : memref<40x128xi32, #tpu.memory_space<vmem>> -> memref<1x128xi32, #tpu.memory_space<vmem>>
    %dma_wait3A_42 = tpu.memref_squeeze %dma_wait3A_41 : memref<1x128xi32, #tpu.memory_space<vmem>> -> memref<128xi32, #tpu.memory_space<vmem>>
    %dma_wait3A_43 = arith.constant 0 : i32
    %dma_wait3A_44 = arith.constant 0 : i32
    %dma_wait3A_45 = tpu.memref_slice %arg13[%dma_wait3A_43, %dma_wait3A_44] : memref<10240x128xf32, #tpu.memory_space<vmem_shared>> -> memref<10240x128xf32, #tpu.memory_space<vmem_shared>>
    tpu.wait_indirect_dma semaphore(%arg12 : memref<!tpu.dma_semaphore, #tpu.memory_space<semaphore_mem>>) src(%arg10 : memref<128x128xf32, #tpu.memory_space<vmem>>) dst(%dma_wait3A_45 : memref<10240x128xf32, #tpu.memory_space<vmem_shared>>)
    %barrier3A_46 = arith.constant 0 : index
    tpu.barrier barrier_id(%barrier3A_46)
    "tpu.region"() ({
      %run_scoped3A_47 = tpu.sem_alloc : memref<!tpu.dma_semaphore, #tpu.memory_space<semaphore_mem>>
      %dma_start3A = arith.constant 0 : i32
      %dma_start3A_48 = tpu.memref_slice %arg5[%arg0, %mul3A_2, %dma_start3A] : memref<2x10240x128xf32, #tpu.memory_space<hbm>> -> memref<1x640x128xf32, #tpu.memory_space<hbm>>
      %dma_start3A_49 = tpu.memref_squeeze %dma_start3A_48 : memref<1x640x128xf32, #tpu.memory_space<hbm>> -> memref<640x128xf32, #tpu.memory_space<hbm>>
      %dma_start3A_50 = arith.constant 0 : i32
      %dma_start3A_51 = tpu.memref_slice %arg13[%mul3A_2, %dma_start3A_50] : memref<10240x128xf32, #tpu.memory_space<vmem_shared>> -> memref<640x128xf32, #tpu.memory_space<vmem_shared>>
      tpu.enqueue_dma source(%dma_start3A_51 : memref<640x128xf32, #tpu.memory_space<vmem_shared>>) target(%dma_start3A_49 : memref<640x128xf32, #tpu.memory_space<hbm>>) target_semaphore(%run_scoped3A_47 : memref<!tpu.dma_semaphore, #tpu.memory_space<semaphore_mem>>)
      %dma_wait3A_52 = arith.constant 0 : i32
      %dma_wait3A_53 = tpu.memref_slice %arg5[%arg0, %mul3A_2, %dma_wait3A_52] : memref<2x10240x128xf32, #tpu.memory_space<hbm>> -> memref<1x640x128xf32, #tpu.memory_space<hbm>>
      %dma_wait3A_54 = tpu.memref_squeeze %dma_wait3A_53 : memref<1x640x128xf32, #tpu.memory_space<hbm>> -> memref<640x128xf32, #tpu.memory_space<hbm>>
      %dma_wait3A_55 = arith.constant 0 : i32
      %dma_wait3A_56 = tpu.memref_slice %arg13[%mul3A_2, %dma_wait3A_55] : memref<10240x128xf32, #tpu.memory_space<vmem_shared>> -> memref<640x128xf32, #tpu.memory_space<vmem_shared>>
      tpu.wait_dma2 semaphore(%run_scoped3A_47 : memref<!tpu.dma_semaphore, #tpu.memory_space<semaphore_mem>>) src(%dma_wait3A_56 : memref<640x128xf32, #tpu.memory_space<vmem_shared>>) dst(%dma_wait3A_54 : memref<640x128xf32, #tpu.memory_space<hbm>>)
      tpu.yield
    }) : () -> ()
    return
  }
}

module attributes {stable_mosaic.version = 14 : i64} {
  func.func @_prep_body(%arg0: i32, %arg1: memref<256x128xf32, #tpu.memory_space<vmem>>, %arg2: memref<256x1xf32, #tpu.memory_space<vmem>>, %arg3: memref<256x128xf32, #tpu.memory_space<vmem>>) attributes {dimension_semantics = [#tpu.dimension_semantics<arbitrary>], iteration_bounds = array<i64: 40>, scalar_prefetch = 0 : i64, scratch_operands = 0 : i64, tpu.core_type = #tpu.core_type<tc>, window_params = [{transform_indices = @transform_0, window_bounds = array<i64: 256, 128>}, {transform_indices = @transform_1, window_bounds = array<i64: 256, 1>}, {transform_indices = @transform_2, window_bounds = array<i64: 256, 128>}]} {
    %get3A = arith.constant 0 : index
    %get3A_0 = arith.constant 0 : index
    %get3A_1 = vector.load %arg2[%get3A, %get3A_0] : memref<256x1xf32, #tpu.memory_space<vmem>>, vector<256x1xf32>
    %gt3A = arith.constant 0.000000e+00 : f32
    %gt3A_2 = vector.broadcast %gt3A : f32 to vector<256x1xf32>
    %gt3A_3 = arith.cmpf ogt, %get3A_1, %gt3A_2 : vector<256x1xf32>
    %get3A_4 = arith.constant 0 : index
    %get3A_5 = arith.constant 0 : index
    %get3A_6 = vector.load %arg1[%get3A_4, %get3A_5] : memref<256x128xf32, #tpu.memory_space<vmem>>, vector<256x128xf32>
    %jit3A = arith.constant 0.000000e+00 : f32
    %broadcast_in_dim3A = vector.shape_cast %gt3A_3 : vector<256x1xi1> to vector<256x1xi1>
    %broadcast_in_dim3A_7 = vector.broadcast %broadcast_in_dim3A : vector<256x1xi1> to vector<256x128xi1>
    %broadcast_in_dim3A_8 = vector.broadcast %jit3A : f32 to vector<256x128xf32>
    %select_n3A = arith.select %broadcast_in_dim3A_7, %broadcast_in_dim3A_8, %get3A_6 : vector<256x128xi1>, vector<256x128xf32>
    %swap3A = arith.constant 0 : index
    %swap3A_9 = arith.constant 0 : index
    %swap3A_10 = vector.load %arg3[%swap3A, %swap3A_9] : memref<256x128xf32, #tpu.memory_space<vmem>>, vector<256x128xf32>
    tpu.vector_store %arg3[%swap3A, %swap3A_9], %select_n3A {strides = array<i32>} : memref<256x128xf32, #tpu.memory_space<vmem>>, vector<256x128xf32>,
    return
  }
  func.func @transform_0(%arg0: i32) -> (i32, i32) {
    %c0_i32 = arith.constant 0 : i32
    %c0_i32_0 = arith.constant 0 : i32
    return %arg0, %c0_i32 : i32, i32
  }
  func.func @transform_1(%arg0: i32) -> (i32, i32) {
    %c0_i32 = arith.constant 0 : i32
    %c0_i32_0 = arith.constant 0 : i32
    return %arg0, %c0_i32 : i32, i32
  }
  func.func @transform_2(%arg0: i32) -> (i32, i32) {
    %c0_i32 = arith.constant 0 : i32
    %c0_i32_0 = arith.constant 0 : i32
    return %arg0, %c0_i32 : i32, i32
  }
}

module attributes {stable_mosaic.version = 14 : i64} {
  func.func @_any_body(%arg0: memref<80x128xf32, #tpu.memory_space<vmem>>, %arg1: memref<1x1xf32, #tpu.memory_space<vmem>>) attributes {dimension_semantics = [], scalar_prefetch = 0 : i64, scratch_operands = 0 : i64, tpu.core_type = #tpu.core_type<tc>} {
    %get3A = arith.constant 0 : index
    %get3A_0 = arith.constant 0 : index
    %get3A_1 = vector.load %arg0[%get3A, %get3A_0] : memref<80x128xf32, #tpu.memory_space<vmem>>, vector<80x128xf32>
    %reduce_max3A = vector.shape_cast %get3A_1 : vector<80x128xf32> to vector<1x80x128xf32>
    %reduce_max3A_2 = arith.constant dense<0xFF800000> : vector<1xf32>
    %reduce_max3A_3 = vector.multi_reduction <maximumf>, %reduce_max3A, %reduce_max3A_2 [1, 2] : vector<1x80x128xf32> to vector<1xf32>
    %reduce_max3A_4 = vector.shape_cast %reduce_max3A_3 : vector<1xf32> to vector<1x1x1xf32>
    %reduce_max3A_5 = vector.extract %reduce_max3A_4[0, 0, 0] : f32 from vector<1x1x1xf32>
    %broadcast_in_dim3A = vector.broadcast %reduce_max3A_5 : f32 to vector<1x1xf32>
    %swap3A = arith.constant 0 : index
    %swap3A_6 = arith.constant 0 : index
    %swap3A_7 = vector.load %arg1[%swap3A, %swap3A_6] : memref<1x1xf32, #tpu.memory_space<vmem>>, vector<1x1xf32>
    tpu.vector_store %arg1[%swap3A, %swap3A_6], %broadcast_in_dim3A {strides = array<i32>} : memref<1x1xf32, #tpu.memory_space<vmem>>, vector<1x1xf32>,
    return
  }
}

module attributes {stable_mosaic.version = 14 : i64} {
  func.func @_hist_body(%arg0: i32, %arg1: memref<16x128xi32, #tpu.memory_space<vmem>>, %arg2: memref<128x128xf32, #tpu.memory_space<vmem>>) attributes {dimension_semantics = [#tpu.dimension_semantics<arbitrary>], iteration_bounds = array<i64: 160>, scalar_prefetch = 0 : i64, scratch_operands = 0 : i64, tpu.core_type = #tpu.core_type<tc>, window_params = [{transform_indices = @transform_0, window_bounds = array<i64: 16, 128>}, {pipeline_mode = #tpu.pipeline_mode<synchronous>, transform_indices = @transform_1, window_bounds = array<i64: 128, 128>}]} {
    %eq3A = arith.constant 0 : i32
    %eq3A_0 = arith.cmpi eq, %arg0, %eq3A : i32
    %convert_element_type3A = arith.extui %eq3A_0 : i1 to i32
    %cond3A = arith.constant 0 : i32
    %cond3A_1 = arith.cmpi ne, %convert_element_type3A, %cond3A : i32
    scf.if %cond3A_1 {
      %broadcast_in_dim3A_388 = arith.constant 0.000000e+00 : f32
      %broadcast_in_dim3A_389 = vector.broadcast %broadcast_in_dim3A_388 : f32 to vector<128x128xf32>
      %swap3A_390 = arith.constant 0 : index
      %swap3A_391 = arith.constant 0 : index
      %swap3A_392 = vector.load %arg2[%swap3A_390, %swap3A_391] : memref<128x128xf32, #tpu.memory_space<vmem>>, vector<128x128xf32>
      tpu.vector_store %arg2[%swap3A_390, %swap3A_391], %broadcast_in_dim3A_389 {strides = array<i32>} : memref<128x128xf32, #tpu.memory_space<vmem>>, vector<128x128xf32>,
    } else {
    }
    %iota3A = tpu.iota {dimensions = array<i32: 0>} : vector<128x128xi32>
    %broadcast_in_dim3A = arith.constant 0.000000e+00 : f32
    %broadcast_in_dim3A_2 = vector.broadcast %broadcast_in_dim3A : f32 to vector<128x128xf32>
    %get3A = arith.constant 0 : index
    %get3A_3 = arith.constant 0 : index
    %get3A_4 = vector.load %arg1[%get3A, %get3A_3] : memref<16x128xi32, #tpu.memory_space<vmem>>, vector<1x128xi32>
    %shift_right_arithmetic3A = arith.constant 7 : i32
    %shift_right_arithmetic3A_5 = vector.broadcast %shift_right_arithmetic3A : i32 to vector<1x128xi32>
    %shift_right_arithmetic3A_6 = arith.shrsi %get3A_4, %shift_right_arithmetic3A_5 : vector<1x128xi32>
    %broadcast_in_dim3A_7 = vector.shape_cast %shift_right_arithmetic3A_6 : vector<1x128xi32> to vector<1x128xi32>
    %broadcast_in_dim3A_8 = vector.broadcast %broadcast_in_dim3A_7 : vector<1x128xi32> to vector<128x128xi32>
    %and3A = arith.constant 127 : i32
    %and3A_9 = vector.broadcast %and3A : i32 to vector<1x128xi32>
    %and3A_10 = arith.andi %get3A_4, %and3A_9 : vector<1x128xi32>
    %broadcast_in_dim3A_11 = vector.shape_cast %and3A_10 : vector<1x128xi32> to vector<1x128xi32>
    %broadcast_in_dim3A_12 = vector.broadcast %broadcast_in_dim3A_11 : vector<1x128xi32> to vector<128x128xi32>
    %eq3A_13 = arith.cmpi eq, %broadcast_in_dim3A_8, %iota3A : vector<128x128xi32>
    %convert_element_type3A_14 = arith.extui %eq3A_13 : vector<128x128xi1> to vector<128x128xi32>
    %convert_element_type3A_15 = arith.sitofp %convert_element_type3A_14 : vector<128x128xi32> to vector<128x128xf32>
    %convert_element_type3A_16 = arith.truncf %convert_element_type3A_15 : vector<128x128xf32> to vector<128x128xbf16>
    %eq3A_17 = arith.cmpi eq, %broadcast_in_dim3A_12, %iota3A : vector<128x128xi32>
    %convert_element_type3A_18 = arith.extui %eq3A_17 : vector<128x128xi1> to vector<128x128xi32>
    %convert_element_type3A_19 = arith.sitofp %convert_element_type3A_18 : vector<128x128xi32> to vector<128x128xf32>
    %convert_element_type3A_20 = arith.truncf %convert_element_type3A_19 : vector<128x128xf32> to vector<128x128xbf16>
    %dot_general3A = arith.constant dense<0.000000e+00> : vector<128x128xf32>
    %dot_general3A_21 = tpu.matmul %convert_element_type3A_16, %convert_element_type3A_20, %dot_general3A {dimension_numbers = #tpu.dot_dimension_numbers<[1], [1], [0], [0], [0, 0, 1, 0], [], []>, transpose_lhs_hint = false} : vector<128x128xbf16>, vector<128x128xbf16>, vector<128x128xf32> -> vector<128x128xf32>
    %add3A = arith.addf %broadcast_in_dim3A_2, %dot_general3A_21 : vector<128x128xf32>
    %get3A_22 = arith.constant 1 : index
    %get3A_23 = arith.constant 0 : index
    %get3A_24 = vector.load %arg1[%get3A_22, %get3A_23] : memref<16x128xi32, #tpu.memory_space<vmem>>, vector<1x128xi32>
    %shift_right_arithmetic3A_25 = arith.constant 7 : i32
    %shift_right_arithmetic3A_26 = vector.broadcast %shift_right_arithmetic3A_25 : i32 to vector<1x128xi32>
    %shift_right_arithmetic3A_27 = arith.shrsi %get3A_24, %shift_right_arithmetic3A_26 : vector<1x128xi32>
    %broadcast_in_dim3A_28 = vector.shape_cast %shift_right_arithmetic3A_27 : vector<1x128xi32> to vector<1x128xi32>
    %broadcast_in_dim3A_29 = vector.broadcast %broadcast_in_dim3A_28 : vector<1x128xi32> to vector<128x128xi32>
    %and3A_30 = arith.constant 127 : i32
    %and3A_31 = vector.broadcast %and3A_30 : i32 to vector<1x128xi32>
    %and3A_32 = arith.andi %get3A_24, %and3A_31 : vector<1x128xi32>
    %broadcast_in_dim3A_33 = vector.shape_cast %and3A_32 : vector<1x128xi32> to vector<1x128xi32>
    %broadcast_in_dim3A_34 = vector.broadcast %broadcast_in_dim3A_33 : vector<1x128xi32> to vector<128x128xi32>
    %eq3A_35 = arith.cmpi eq, %broadcast_in_dim3A_29, %iota3A : vector<128x128xi32>
    %convert_element_type3A_36 = arith.extui %eq3A_35 : vector<128x128xi1> to vector<128x128xi32>
    %convert_element_type3A_37 = arith.sitofp %convert_element_type3A_36 : vector<128x128xi32> to vector<128x128xf32>
    %convert_element_type3A_38 = arith.truncf %convert_element_type3A_37 : vector<128x128xf32> to vector<128x128xbf16>
    %eq3A_39 = arith.cmpi eq, %broadcast_in_dim3A_34, %iota3A : vector<128x128xi32>
    %convert_element_type3A_40 = arith.extui %eq3A_39 : vector<128x128xi1> to vector<128x128xi32>
    %convert_element_type3A_41 = arith.sitofp %convert_element_type3A_40 : vector<128x128xi32> to vector<128x128xf32>
    %convert_element_type3A_42 = arith.truncf %convert_element_type3A_41 : vector<128x128xf32> to vector<128x128xbf16>
    %dot_general3A_43 = arith.constant dense<0.000000e+00> : vector<128x128xf32>
    %dot_general3A_44 = tpu.matmul %convert_element_type3A_38, %convert_element_type3A_42, %dot_general3A_43 {dimension_numbers = #tpu.dot_dimension_numbers<[1], [1], [0], [0], [0, 0, 1, 0], [], []>, transpose_lhs_hint = false} : vector<128x128xbf16>, vector<128x128xbf16>, vector<128x128xf32> -> vector<128x128xf32>
    %add3A_45 = arith.addf %add3A, %dot_general3A_44 : vector<128x128xf32>
    %get3A_46 = arith.constant 2 : index
    %get3A_47 = arith.constant 0 : index
    %get3A_48 = vector.load %arg1[%get3A_46, %get3A_47] : memref<16x128xi32, #tpu.memory_space<vmem>>, vector<1x128xi32>
    %shift_right_arithmetic3A_49 = arith.constant 7 : i32
    %shift_right_arithmetic3A_50 = vector.broadcast %shift_right_arithmetic3A_49 : i32 to vector<1x128xi32>
    %shift_right_arithmetic3A_51 = arith.shrsi %get3A_48, %shift_right_arithmetic3A_50 : vector<1x128xi32>
    %broadcast_in_dim3A_52 = vector.shape_cast %shift_right_arithmetic3A_51 : vector<1x128xi32> to vector<1x128xi32>
    %broadcast_in_dim3A_53 = vector.broadcast %broadcast_in_dim3A_52 : vector<1x128xi32> to vector<128x128xi32>
    %and3A_54 = arith.constant 127 : i32
    %and3A_55 = vector.broadcast %and3A_54 : i32 to vector<1x128xi32>
    %and3A_56 = arith.andi %get3A_48, %and3A_55 : vector<1x128xi32>
    %broadcast_in_dim3A_57 = vector.shape_cast %and3A_56 : vector<1x128xi32> to vector<1x128xi32>
    %broadcast_in_dim3A_58 = vector.broadcast %broadcast_in_dim3A_57 : vector<1x128xi32> to vector<128x128xi32>
    %eq3A_59 = arith.cmpi eq, %broadcast_in_dim3A_53, %iota3A : vector<128x128xi32>
    %convert_element_type3A_60 = arith.extui %eq3A_59 : vector<128x128xi1> to vector<128x128xi32>
    %convert_element_type3A_61 = arith.sitofp %convert_element_type3A_60 : vector<128x128xi32> to vector<128x128xf32>
    %convert_element_type3A_62 = arith.truncf %convert_element_type3A_61 : vector<128x128xf32> to vector<128x128xbf16>
    %eq3A_63 = arith.cmpi eq, %broadcast_in_dim3A_58, %iota3A : vector<128x128xi32>
    %convert_element_type3A_64 = arith.extui %eq3A_63 : vector<128x128xi1> to vector<128x128xi32>
    %convert_element_type3A_65 = arith.sitofp %convert_element_type3A_64 : vector<128x128xi32> to vector<128x128xf32>
    %convert_element_type3A_66 = arith.truncf %convert_element_type3A_65 : vector<128x128xf32> to vector<128x128xbf16>
    %dot_general3A_67 = arith.constant dense<0.000000e+00> : vector<128x128xf32>
    %dot_general3A_68 = tpu.matmul %convert_element_type3A_62, %convert_element_type3A_66, %dot_general3A_67 {dimension_numbers = #tpu.dot_dimension_numbers<[1], [1], [0], [0], [0, 0, 1, 0], [], []>, transpose_lhs_hint = false} : vector<128x128xbf16>, vector<128x128xbf16>, vector<128x128xf32> -> vector<128x128xf32>
    %add3A_69 = arith.addf %add3A_45, %dot_general3A_68 : vector<128x128xf32>
    %get3A_70 = arith.constant 3 : index
    %get3A_71 = arith.constant 0 : index
    %get3A_72 = vector.load %arg1[%get3A_70, %get3A_71] : memref<16x128xi32, #tpu.memory_space<vmem>>, vector<1x128xi32>
    %shift_right_arithmetic3A_73 = arith.constant 7 : i32
    %shift_right_arithmetic3A_74 = vector.broadcast %shift_right_arithmetic3A_73 : i32 to vector<1x128xi32>
    %shift_right_arithmetic3A_75 = arith.shrsi %get3A_72, %shift_right_arithmetic3A_74 : vector<1x128xi32>
    %broadcast_in_dim3A_76 = vector.shape_cast %shift_right_arithmetic3A_75 : vector<1x128xi32> to vector<1x128xi32>
    %broadcast_in_dim3A_77 = vector.broadcast %broadcast_in_dim3A_76 : vector<1x128xi32> to vector<128x128xi32>
    %and3A_78 = arith.constant 127 : i32
    %and3A_79 = vector.broadcast %and3A_78 : i32 to vector<1x128xi32>
    %and3A_80 = arith.andi %get3A_72, %and3A_79 : vector<1x128xi32>
    %broadcast_in_dim3A_81 = vector.shape_cast %and3A_80 : vector<1x128xi32> to vector<1x128xi32>
    %broadcast_in_dim3A_82 = vector.broadcast %broadcast_in_dim3A_81 : vector<1x128xi32> to vector<128x128xi32>
    %eq3A_83 = arith.cmpi eq, %broadcast_in_dim3A_77, %iota3A : vector<128x128xi32>
    %convert_element_type3A_84 = arith.extui %eq3A_83 : vector<128x128xi1> to vector<128x128xi32>
    %convert_element_type3A_85 = arith.sitofp %convert_element_type3A_84 : vector<128x128xi32> to vector<128x128xf32>
    %convert_element_type3A_86 = arith.truncf %convert_element_type3A_85 : vector<128x128xf32> to vector<128x128xbf16>
    %eq3A_87 = arith.cmpi eq, %broadcast_in_dim3A_82, %iota3A : vector<128x128xi32>
    %convert_element_type3A_88 = arith.extui %eq3A_87 : vector<128x128xi1> to vector<128x128xi32>
    %convert_element_type3A_89 = arith.sitofp %convert_element_type3A_88 : vector<128x128xi32> to vector<128x128xf32>
    %convert_element_type3A_90 = arith.truncf %convert_element_type3A_89 : vector<128x128xf32> to vector<128x128xbf16>
    %dot_general3A_91 = arith.constant dense<0.000000e+00> : vector<128x128xf32>
    %dot_general3A_92 = tpu.matmul %convert_element_type3A_86, %convert_element_type3A_90, %dot_general3A_91 {dimension_numbers = #tpu.dot_dimension_numbers<[1], [1], [0], [0], [0, 0, 1, 0], [], []>, transpose_lhs_hint = false} : vector<128x128xbf16>, vector<128x128xbf16>, vector<128x128xf32> -> vector<128x128xf32>
    %add3A_93 = arith.addf %add3A_69, %dot_general3A_92 : vector<128x128xf32>
    %get3A_94 = arith.constant 4 : index
    %get3A_95 = arith.constant 0 : index
    %get3A_96 = vector.load %arg1[%get3A_94, %get3A_95] : memref<16x128xi32, #tpu.memory_space<vmem>>, vector<1x128xi32>
    %shift_right_arithmetic3A_97 = arith.constant 7 : i32
    %shift_right_arithmetic3A_98 = vector.broadcast %shift_right_arithmetic3A_97 : i32 to vector<1x128xi32>
    %shift_right_arithmetic3A_99 = arith.shrsi %get3A_96, %shift_right_arithmetic3A_98 : vector<1x128xi32>
    %broadcast_in_dim3A_100 = vector.shape_cast %shift_right_arithmetic3A_99 : vector<1x128xi32> to vector<1x128xi32>
    %broadcast_in_dim3A_101 = vector.broadcast %broadcast_in_dim3A_100 : vector<1x128xi32> to vector<128x128xi32>
    %and3A_102 = arith.constant 127 : i32
    %and3A_103 = vector.broadcast %and3A_102 : i32 to vector<1x128xi32>
    %and3A_104 = arith.andi %get3A_96, %and3A_103 : vector<1x128xi32>
    %broadcast_in_dim3A_105 = vector.shape_cast %and3A_104 : vector<1x128xi32> to vector<1x128xi32>
    %broadcast_in_dim3A_106 = vector.broadcast %broadcast_in_dim3A_105 : vector<1x128xi32> to vector<128x128xi32>
    %eq3A_107 = arith.cmpi eq, %broadcast_in_dim3A_101, %iota3A : vector<128x128xi32>
    %convert_element_type3A_108 = arith.extui %eq3A_107 : vector<128x128xi1> to vector<128x128xi32>
    %convert_element_type3A_109 = arith.sitofp %convert_element_type3A_108 : vector<128x128xi32> to vector<128x128xf32>
    %convert_element_type3A_110 = arith.truncf %convert_element_type3A_109 : vector<128x128xf32> to vector<128x128xbf16>
    %eq3A_111 = arith.cmpi eq, %broadcast_in_dim3A_106, %iota3A : vector<128x128xi32>
    %convert_element_type3A_112 = arith.extui %eq3A_111 : vector<128x128xi1> to vector<128x128xi32>
    %convert_element_type3A_113 = arith.sitofp %convert_element_type3A_112 : vector<128x128xi32> to vector<128x128xf32>
    %convert_element_type3A_114 = arith.truncf %convert_element_type3A_113 : vector<128x128xf32> to vector<128x128xbf16>
    %dot_general3A_115 = arith.constant dense<0.000000e+00> : vector<128x128xf32>
    %dot_general3A_116 = tpu.matmul %convert_element_type3A_110, %convert_element_type3A_114, %dot_general3A_115 {dimension_numbers = #tpu.dot_dimension_numbers<[1], [1], [0], [0], [0, 0, 1, 0], [], []>, transpose_lhs_hint = false} : vector<128x128xbf16>, vector<128x128xbf16>, vector<128x128xf32> -> vector<128x128xf32>
    %add3A_117 = arith.addf %add3A_93, %dot_general3A_116 : vector<128x128xf32>
    %get3A_118 = arith.constant 5 : index
    %get3A_119 = arith.constant 0 : index
    %get3A_120 = vector.load %arg1[%get3A_118, %get3A_119] : memref<16x128xi32, #tpu.memory_space<vmem>>, vector<1x128xi32>
    %shift_right_arithmetic3A_121 = arith.constant 7 : i32
    %shift_right_arithmetic3A_122 = vector.broadcast %shift_right_arithmetic3A_121 : i32 to vector<1x128xi32>
    %shift_right_arithmetic3A_123 = arith.shrsi %get3A_120, %shift_right_arithmetic3A_122 : vector<1x128xi32>
    %broadcast_in_dim3A_124 = vector.shape_cast %shift_right_arithmetic3A_123 : vector<1x128xi32> to vector<1x128xi32>
    %broadcast_in_dim3A_125 = vector.broadcast %broadcast_in_dim3A_124 : vector<1x128xi32> to vector<128x128xi32>
    %and3A_126 = arith.constant 127 : i32
    %and3A_127 = vector.broadcast %and3A_126 : i32 to vector<1x128xi32>
    %and3A_128 = arith.andi %get3A_120, %and3A_127 : vector<1x128xi32>
    %broadcast_in_dim3A_129 = vector.shape_cast %and3A_128 : vector<1x128xi32> to vector<1x128xi32>
    %broadcast_in_dim3A_130 = vector.broadcast %broadcast_in_dim3A_129 : vector<1x128xi32> to vector<128x128xi32>
    %eq3A_131 = arith.cmpi eq, %broadcast_in_dim3A_125, %iota3A : vector<128x128xi32>
    %convert_element_type3A_132 = arith.extui %eq3A_131 : vector<128x128xi1> to vector<128x128xi32>
    %convert_element_type3A_133 = arith.sitofp %convert_element_type3A_132 : vector<128x128xi32> to vector<128x128xf32>
    %convert_element_type3A_134 = arith.truncf %convert_element_type3A_133 : vector<128x128xf32> to vector<128x128xbf16>
    %eq3A_135 = arith.cmpi eq, %broadcast_in_dim3A_130, %iota3A : vector<128x128xi32>
    %convert_element_type3A_136 = arith.extui %eq3A_135 : vector<128x128xi1> to vector<128x128xi32>
    %convert_element_type3A_137 = arith.sitofp %convert_element_type3A_136 : vector<128x128xi32> to vector<128x128xf32>
    %convert_element_type3A_138 = arith.truncf %convert_element_type3A_137 : vector<128x128xf32> to vector<128x128xbf16>
    %dot_general3A_139 = arith.constant dense<0.000000e+00> : vector<128x128xf32>
    %dot_general3A_140 = tpu.matmul %convert_element_type3A_134, %convert_element_type3A_138, %dot_general3A_139 {dimension_numbers = #tpu.dot_dimension_numbers<[1], [1], [0], [0], [0, 0, 1, 0], [], []>, transpose_lhs_hint = false} : vector<128x128xbf16>, vector<128x128xbf16>, vector<128x128xf32> -> vector<128x128xf32>
    %add3A_141 = arith.addf %add3A_117, %dot_general3A_140 : vector<128x128xf32>
    %get3A_142 = arith.constant 6 : index
    %get3A_143 = arith.constant 0 : index
    %get3A_144 = vector.load %arg1[%get3A_142, %get3A_143] : memref<16x128xi32, #tpu.memory_space<vmem>>, vector<1x128xi32>
    %shift_right_arithmetic3A_145 = arith.constant 7 : i32
    %shift_right_arithmetic3A_146 = vector.broadcast %shift_right_arithmetic3A_145 : i32 to vector<1x128xi32>
    %shift_right_arithmetic3A_147 = arith.shrsi %get3A_144, %shift_right_arithmetic3A_146 : vector<1x128xi32>
    %broadcast_in_dim3A_148 = vector.shape_cast %shift_right_arithmetic3A_147 : vector<1x128xi32> to vector<1x128xi32>
    %broadcast_in_dim3A_149 = vector.broadcast %broadcast_in_dim3A_148 : vector<1x128xi32> to vector<128x128xi32>
    %and3A_150 = arith.constant 127 : i32
    %and3A_151 = vector.broadcast %and3A_150 : i32 to vector<1x128xi32>
    %and3A_152 = arith.andi %get3A_144, %and3A_151 : vector<1x128xi32>
    %broadcast_in_dim3A_153 = vector.shape_cast %and3A_152 : vector<1x128xi32> to vector<1x128xi32>
    %broadcast_in_dim3A_154 = vector.broadcast %broadcast_in_dim3A_153 : vector<1x128xi32> to vector<128x128xi32>
    %eq3A_155 = arith.cmpi eq, %broadcast_in_dim3A_149, %iota3A : vector<128x128xi32>
    %convert_element_type3A_156 = arith.extui %eq3A_155 : vector<128x128xi1> to vector<128x128xi32>
    %convert_element_type3A_157 = arith.sitofp %convert_element_type3A_156 : vector<128x128xi32> to vector<128x128xf32>
    %convert_element_type3A_158 = arith.truncf %convert_element_type3A_157 : vector<128x128xf32> to vector<128x128xbf16>
    %eq3A_159 = arith.cmpi eq, %broadcast_in_dim3A_154, %iota3A : vector<128x128xi32>
    %convert_element_type3A_160 = arith.extui %eq3A_159 : vector<128x128xi1> to vector<128x128xi32>
    %convert_element_type3A_161 = arith.sitofp %convert_element_type3A_160 : vector<128x128xi32> to vector<128x128xf32>
    %convert_element_type3A_162 = arith.truncf %convert_element_type3A_161 : vector<128x128xf32> to vector<128x128xbf16>
    %dot_general3A_163 = arith.constant dense<0.000000e+00> : vector<128x128xf32>
    %dot_general3A_164 = tpu.matmul %convert_element_type3A_158, %convert_element_type3A_162, %dot_general3A_163 {dimension_numbers = #tpu.dot_dimension_numbers<[1], [1], [0], [0], [0, 0, 1, 0], [], []>, transpose_lhs_hint = false} : vector<128x128xbf16>, vector<128x128xbf16>, vector<128x128xf32> -> vector<128x128xf32>
    %add3A_165 = arith.addf %add3A_141, %dot_general3A_164 : vector<128x128xf32>
    %get3A_166 = arith.constant 7 : index
    %get3A_167 = arith.constant 0 : index
    %get3A_168 = vector.load %arg1[%get3A_166, %get3A_167] : memref<16x128xi32, #tpu.memory_space<vmem>>, vector<1x128xi32>
    %shift_right_arithmetic3A_169 = arith.constant 7 : i32
    %shift_right_arithmetic3A_170 = vector.broadcast %shift_right_arithmetic3A_169 : i32 to vector<1x128xi32>
    %shift_right_arithmetic3A_171 = arith.shrsi %get3A_168, %shift_right_arithmetic3A_170 : vector<1x128xi32>
    %broadcast_in_dim3A_172 = vector.shape_cast %shift_right_arithmetic3A_171 : vector<1x128xi32> to vector<1x128xi32>
    %broadcast_in_dim3A_173 = vector.broadcast %broadcast_in_dim3A_172 : vector<1x128xi32> to vector<128x128xi32>
    %and3A_174 = arith.constant 127 : i32
    %and3A_175 = vector.broadcast %and3A_174 : i32 to vector<1x128xi32>
    %and3A_176 = arith.andi %get3A_168, %and3A_175 : vector<1x128xi32>
    %broadcast_in_dim3A_177 = vector.shape_cast %and3A_176 : vector<1x128xi32> to vector<1x128xi32>
    %broadcast_in_dim3A_178 = vector.broadcast %broadcast_in_dim3A_177 : vector<1x128xi32> to vector<128x128xi32>
    %eq3A_179 = arith.cmpi eq, %broadcast_in_dim3A_173, %iota3A : vector<128x128xi32>
    %convert_element_type3A_180 = arith.extui %eq3A_179 : vector<128x128xi1> to vector<128x128xi32>
    %convert_element_type3A_181 = arith.sitofp %convert_element_type3A_180 : vector<128x128xi32> to vector<128x128xf32>
    %convert_element_type3A_182 = arith.truncf %convert_element_type3A_181 : vector<128x128xf32> to vector<128x128xbf16>
    %eq3A_183 = arith.cmpi eq, %broadcast_in_dim3A_178, %iota3A : vector<128x128xi32>
    %convert_element_type3A_184 = arith.extui %eq3A_183 : vector<128x128xi1> to vector<128x128xi32>
    %convert_element_type3A_185 = arith.sitofp %convert_element_type3A_184 : vector<128x128xi32> to vector<128x128xf32>
    %convert_element_type3A_186 = arith.truncf %convert_element_type3A_185 : vector<128x128xf32> to vector<128x128xbf16>
    %dot_general3A_187 = arith.constant dense<0.000000e+00> : vector<128x128xf32>
    %dot_general3A_188 = tpu.matmul %convert_element_type3A_182, %convert_element_type3A_186, %dot_general3A_187 {dimension_numbers = #tpu.dot_dimension_numbers<[1], [1], [0], [0], [0, 0, 1, 0], [], []>, transpose_lhs_hint = false} : vector<128x128xbf16>, vector<128x128xbf16>, vector<128x128xf32> -> vector<128x128xf32>
    %add3A_189 = arith.addf %add3A_165, %dot_general3A_188 : vector<128x128xf32>
    %get3A_190 = arith.constant 8 : index
    %get3A_191 = arith.constant 0 : index
    %get3A_192 = vector.load %arg1[%get3A_190, %get3A_191] : memref<16x128xi32, #tpu.memory_space<vmem>>, vector<1x128xi32>
    %shift_right_arithmetic3A_193 = arith.constant 7 : i32
    %shift_right_arithmetic3A_194 = vector.broadcast %shift_right_arithmetic3A_193 : i32 to vector<1x128xi32>
    %shift_right_arithmetic3A_195 = arith.shrsi %get3A_192, %shift_right_arithmetic3A_194 : vector<1x128xi32>
    %broadcast_in_dim3A_196 = vector.shape_cast %shift_right_arithmetic3A_195 : vector<1x128xi32> to vector<1x128xi32>
    %broadcast_in_dim3A_197 = vector.broadcast %broadcast_in_dim3A_196 : vector<1x128xi32> to vector<128x128xi32>
    %and3A_198 = arith.constant 127 : i32
    %and3A_199 = vector.broadcast %and3A_198 : i32 to vector<1x128xi32>
    %and3A_200 = arith.andi %get3A_192, %and3A_199 : vector<1x128xi32>
    %broadcast_in_dim3A_201 = vector.shape_cast %and3A_200 : vector<1x128xi32> to vector<1x128xi32>
    %broadcast_in_dim3A_202 = vector.broadcast %broadcast_in_dim3A_201 : vector<1x128xi32> to vector<128x128xi32>
    %eq3A_203 = arith.cmpi eq, %broadcast_in_dim3A_197, %iota3A : vector<128x128xi32>
    %convert_element_type3A_204 = arith.extui %eq3A_203 : vector<128x128xi1> to vector<128x128xi32>
    %convert_element_type3A_205 = arith.sitofp %convert_element_type3A_204 : vector<128x128xi32> to vector<128x128xf32>
    %convert_element_type3A_206 = arith.truncf %convert_element_type3A_205 : vector<128x128xf32> to vector<128x128xbf16>
    %eq3A_207 = arith.cmpi eq, %broadcast_in_dim3A_202, %iota3A : vector<128x128xi32>
    %convert_element_type3A_208 = arith.extui %eq3A_207 : vector<128x128xi1> to vector<128x128xi32>
    %convert_element_type3A_209 = arith.sitofp %convert_element_type3A_208 : vector<128x128xi32> to vector<128x128xf32>
    %convert_element_type3A_210 = arith.truncf %convert_element_type3A_209 : vector<128x128xf32> to vector<128x128xbf16>
    %dot_general3A_211 = arith.constant dense<0.000000e+00> : vector<128x128xf32>
    %dot_general3A_212 = tpu.matmul %convert_element_type3A_206, %convert_element_type3A_210, %dot_general3A_211 {dimension_numbers = #tpu.dot_dimension_numbers<[1], [1], [0], [0], [0, 0, 1, 0], [], []>, transpose_lhs_hint = false} : vector<128x128xbf16>, vector<128x128xbf16>, vector<128x128xf32> -> vector<128x128xf32>
    %add3A_213 = arith.addf %add3A_189, %dot_general3A_212 : vector<128x128xf32>
    %get3A_214 = arith.constant 9 : index
    %get3A_215 = arith.constant 0 : index
    %get3A_216 = vector.load %arg1[%get3A_214, %get3A_215] : memref<16x128xi32, #tpu.memory_space<vmem>>, vector<1x128xi32>
    %shift_right_arithmetic3A_217 = arith.constant 7 : i32
    %shift_right_arithmetic3A_218 = vector.broadcast %shift_right_arithmetic3A_217 : i32 to vector<1x128xi32>
    %shift_right_arithmetic3A_219 = arith.shrsi %get3A_216, %shift_right_arithmetic3A_218 : vector<1x128xi32>
    %broadcast_in_dim3A_220 = vector.shape_cast %shift_right_arithmetic3A_219 : vector<1x128xi32> to vector<1x128xi32>
    %broadcast_in_dim3A_221 = vector.broadcast %broadcast_in_dim3A_220 : vector<1x128xi32> to vector<128x128xi32>
    %and3A_222 = arith.constant 127 : i32
    %and3A_223 = vector.broadcast %and3A_222 : i32 to vector<1x128xi32>
    %and3A_224 = arith.andi %get3A_216, %and3A_223 : vector<1x128xi32>
    %broadcast_in_dim3A_225 = vector.shape_cast %and3A_224 : vector<1x128xi32> to vector<1x128xi32>
    %broadcast_in_dim3A_226 = vector.broadcast %broadcast_in_dim3A_225 : vector<1x128xi32> to vector<128x128xi32>
    %eq3A_227 = arith.cmpi eq, %broadcast_in_dim3A_221, %iota3A : vector<128x128xi32>
    %convert_element_type3A_228 = arith.extui %eq3A_227 : vector<128x128xi1> to vector<128x128xi32>
    %convert_element_type3A_229 = arith.sitofp %convert_element_type3A_228 : vector<128x128xi32> to vector<128x128xf32>
    %convert_element_type3A_230 = arith.truncf %convert_element_type3A_229 : vector<128x128xf32> to vector<128x128xbf16>
    %eq3A_231 = arith.cmpi eq, %broadcast_in_dim3A_226, %iota3A : vector<128x128xi32>
    %convert_element_type3A_232 = arith.extui %eq3A_231 : vector<128x128xi1> to vector<128x128xi32>
    %convert_element_type3A_233 = arith.sitofp %convert_element_type3A_232 : vector<128x128xi32> to vector<128x128xf32>
    %convert_element_type3A_234 = arith.truncf %convert_element_type3A_233 : vector<128x128xf32> to vector<128x128xbf16>
    %dot_general3A_235 = arith.constant dense<0.000000e+00> : vector<128x128xf32>
    %dot_general3A_236 = tpu.matmul %convert_element_type3A_230, %convert_element_type3A_234, %dot_general3A_235 {dimension_numbers = #tpu.dot_dimension_numbers<[1], [1], [0], [0], [0, 0, 1, 0], [], []>, transpose_lhs_hint = false} : vector<128x128xbf16>, vector<128x128xbf16>, vector<128x128xf32> -> vector<128x128xf32>
    %add3A_237 = arith.addf %add3A_213, %dot_general3A_236 : vector<128x128xf32>
    %get3A_238 = arith.constant 10 : index
    %get3A_239 = arith.constant 0 : index
    %get3A_240 = vector.load %arg1[%get3A_238, %get3A_239] : memref<16x128xi32, #tpu.memory_space<vmem>>, vector<1x128xi32>
    %shift_right_arithmetic3A_241 = arith.constant 7 : i32
    %shift_right_arithmetic3A_242 = vector.broadcast %shift_right_arithmetic3A_241 : i32 to vector<1x128xi32>
    %shift_right_arithmetic3A_243 = arith.shrsi %get3A_240, %shift_right_arithmetic3A_242 : vector<1x128xi32>
    %broadcast_in_dim3A_244 = vector.shape_cast %shift_right_arithmetic3A_243 : vector<1x128xi32> to vector<1x128xi32>
    %broadcast_in_dim3A_245 = vector.broadcast %broadcast_in_dim3A_244 : vector<1x128xi32> to vector<128x128xi32>
    %and3A_246 = arith.constant 127 : i32
    %and3A_247 = vector.broadcast %and3A_246 : i32 to vector<1x128xi32>
    %and3A_248 = arith.andi %get3A_240, %and3A_247 : vector<1x128xi32>
    %broadcast_in_dim3A_249 = vector.shape_cast %and3A_248 : vector<1x128xi32> to vector<1x128xi32>
    %broadcast_in_dim3A_250 = vector.broadcast %broadcast_in_dim3A_249 : vector<1x128xi32> to vector<128x128xi32>
    %eq3A_251 = arith.cmpi eq, %broadcast_in_dim3A_245, %iota3A : vector<128x128xi32>
    %convert_element_type3A_252 = arith.extui %eq3A_251 : vector<128x128xi1> to vector<128x128xi32>
    %convert_element_type3A_253 = arith.sitofp %convert_element_type3A_252 : vector<128x128xi32> to vector<128x128xf32>
    %convert_element_type3A_254 = arith.truncf %convert_element_type3A_253 : vector<128x128xf32> to vector<128x128xbf16>
    %eq3A_255 = arith.cmpi eq, %broadcast_in_dim3A_250, %iota3A : vector<128x128xi32>
    %convert_element_type3A_256 = arith.extui %eq3A_255 : vector<128x128xi1> to vector<128x128xi32>
    %convert_element_type3A_257 = arith.sitofp %convert_element_type3A_256 : vector<128x128xi32> to vector<128x128xf32>
    %convert_element_type3A_258 = arith.truncf %convert_element_type3A_257 : vector<128x128xf32> to vector<128x128xbf16>
    %dot_general3A_259 = arith.constant dense<0.000000e+00> : vector<128x128xf32>
    %dot_general3A_260 = tpu.matmul %convert_element_type3A_254, %convert_element_type3A_258, %dot_general3A_259 {dimension_numbers = #tpu.dot_dimension_numbers<[1], [1], [0], [0], [0, 0, 1, 0], [], []>, transpose_lhs_hint = false} : vector<128x128xbf16>, vector<128x128xbf16>, vector<128x128xf32> -> vector<128x128xf32>
    %add3A_261 = arith.addf %add3A_237, %dot_general3A_260 : vector<128x128xf32>
    %get3A_262 = arith.constant 11 : index
    %get3A_263 = arith.constant 0 : index
    %get3A_264 = vector.load %arg1[%get3A_262, %get3A_263] : memref<16x128xi32, #tpu.memory_space<vmem>>, vector<1x128xi32>
    %shift_right_arithmetic3A_265 = arith.constant 7 : i32
    %shift_right_arithmetic3A_266 = vector.broadcast %shift_right_arithmetic3A_265 : i32 to vector<1x128xi32>
    %shift_right_arithmetic3A_267 = arith.shrsi %get3A_264, %shift_right_arithmetic3A_266 : vector<1x128xi32>
    %broadcast_in_dim3A_268 = vector.shape_cast %shift_right_arithmetic3A_267 : vector<1x128xi32> to vector<1x128xi32>
    %broadcast_in_dim3A_269 = vector.broadcast %broadcast_in_dim3A_268 : vector<1x128xi32> to vector<128x128xi32>
    %and3A_270 = arith.constant 127 : i32
    %and3A_271 = vector.broadcast %and3A_270 : i32 to vector<1x128xi32>
    %and3A_272 = arith.andi %get3A_264, %and3A_271 : vector<1x128xi32>
    %broadcast_in_dim3A_273 = vector.shape_cast %and3A_272 : vector<1x128xi32> to vector<1x128xi32>
    %broadcast_in_dim3A_274 = vector.broadcast %broadcast_in_dim3A_273 : vector<1x128xi32> to vector<128x128xi32>
    %eq3A_275 = arith.cmpi eq, %broadcast_in_dim3A_269, %iota3A : vector<128x128xi32>
    %convert_element_type3A_276 = arith.extui %eq3A_275 : vector<128x128xi1> to vector<128x128xi32>
    %convert_element_type3A_277 = arith.sitofp %convert_element_type3A_276 : vector<128x128xi32> to vector<128x128xf32>
    %convert_element_type3A_278 = arith.truncf %convert_element_type3A_277 : vector<128x128xf32> to vector<128x128xbf16>
    %eq3A_279 = arith.cmpi eq, %broadcast_in_dim3A_274, %iota3A : vector<128x128xi32>
    %convert_element_type3A_280 = arith.extui %eq3A_279 : vector<128x128xi1> to vector<128x128xi32>
    %convert_element_type3A_281 = arith.sitofp %convert_element_type3A_280 : vector<128x128xi32> to vector<128x128xf32>
    %convert_element_type3A_282 = arith.truncf %convert_element_type3A_281 : vector<128x128xf32> to vector<128x128xbf16>
    %dot_general3A_283 = arith.constant dense<0.000000e+00> : vector<128x128xf32>
    %dot_general3A_284 = tpu.matmul %convert_element_type3A_278, %convert_element_type3A_282, %dot_general3A_283 {dimension_numbers = #tpu.dot_dimension_numbers<[1], [1], [0], [0], [0, 0, 1, 0], [], []>, transpose_lhs_hint = false} : vector<128x128xbf16>, vector<128x128xbf16>, vector<128x128xf32> -> vector<128x128xf32>
    %add3A_285 = arith.addf %add3A_261, %dot_general3A_284 : vector<128x128xf32>
    %get3A_286 = arith.constant 12 : index
    %get3A_287 = arith.constant 0 : index
    %get3A_288 = vector.load %arg1[%get3A_286, %get3A_287] : memref<16x128xi32, #tpu.memory_space<vmem>>, vector<1x128xi32>
    %shift_right_arithmetic3A_289 = arith.constant 7 : i32
    %shift_right_arithmetic3A_290 = vector.broadcast %shift_right_arithmetic3A_289 : i32 to vector<1x128xi32>
    %shift_right_arithmetic3A_291 = arith.shrsi %get3A_288, %shift_right_arithmetic3A_290 : vector<1x128xi32>
    %broadcast_in_dim3A_292 = vector.shape_cast %shift_right_arithmetic3A_291 : vector<1x128xi32> to vector<1x128xi32>
    %broadcast_in_dim3A_293 = vector.broadcast %broadcast_in_dim3A_292 : vector<1x128xi32> to vector<128x128xi32>
    %and3A_294 = arith.constant 127 : i32
    %and3A_295 = vector.broadcast %and3A_294 : i32 to vector<1x128xi32>
    %and3A_296 = arith.andi %get3A_288, %and3A_295 : vector<1x128xi32>
    %broadcast_in_dim3A_297 = vector.shape_cast %and3A_296 : vector<1x128xi32> to vector<1x128xi32>
    %broadcast_in_dim3A_298 = vector.broadcast %broadcast_in_dim3A_297 : vector<1x128xi32> to vector<128x128xi32>
    %eq3A_299 = arith.cmpi eq, %broadcast_in_dim3A_293, %iota3A : vector<128x128xi32>
    %convert_element_type3A_300 = arith.extui %eq3A_299 : vector<128x128xi1> to vector<128x128xi32>
    %convert_element_type3A_301 = arith.sitofp %convert_element_type3A_300 : vector<128x128xi32> to vector<128x128xf32>
    %convert_element_type3A_302 = arith.truncf %convert_element_type3A_301 : vector<128x128xf32> to vector<128x128xbf16>
    %eq3A_303 = arith.cmpi eq, %broadcast_in_dim3A_298, %iota3A : vector<128x128xi32>
    %convert_element_type3A_304 = arith.extui %eq3A_303 : vector<128x128xi1> to vector<128x128xi32>
    %convert_element_type3A_305 = arith.sitofp %convert_element_type3A_304 : vector<128x128xi32> to vector<128x128xf32>
    %convert_element_type3A_306 = arith.truncf %convert_element_type3A_305 : vector<128x128xf32> to vector<128x128xbf16>
    %dot_general3A_307 = arith.constant dense<0.000000e+00> : vector<128x128xf32>
    %dot_general3A_308 = tpu.matmul %convert_element_type3A_302, %convert_element_type3A_306, %dot_general3A_307 {dimension_numbers = #tpu.dot_dimension_numbers<[1], [1], [0], [0], [0, 0, 1, 0], [], []>, transpose_lhs_hint = false} : vector<128x128xbf16>, vector<128x128xbf16>, vector<128x128xf32> -> vector<128x128xf32>
    %add3A_309 = arith.addf %add3A_285, %dot_general3A_308 : vector<128x128xf32>
    %get3A_310 = arith.constant 13 : index
    %get3A_311 = arith.constant 0 : index
    %get3A_312 = vector.load %arg1[%get3A_310, %get3A_311] : memref<16x128xi32, #tpu.memory_space<vmem>>, vector<1x128xi32>
    %shift_right_arithmetic3A_313 = arith.constant 7 : i32
    %shift_right_arithmetic3A_314 = vector.broadcast %shift_right_arithmetic3A_313 : i32 to vector<1x128xi32>
    %shift_right_arithmetic3A_315 = arith.shrsi %get3A_312, %shift_right_arithmetic3A_314 : vector<1x128xi32>
    %broadcast_in_dim3A_316 = vector.shape_cast %shift_right_arithmetic3A_315 : vector<1x128xi32> to vector<1x128xi32>
    %broadcast_in_dim3A_317 = vector.broadcast %broadcast_in_dim3A_316 : vector<1x128xi32> to vector<128x128xi32>
    %and3A_318 = arith.constant 127 : i32
    %and3A_319 = vector.broadcast %and3A_318 : i32 to vector<1x128xi32>
    %and3A_320 = arith.andi %get3A_312, %and3A_319 : vector<1x128xi32>
    %broadcast_in_dim3A_321 = vector.shape_cast %and3A_320 : vector<1x128xi32> to vector<1x128xi32>
    %broadcast_in_dim3A_322 = vector.broadcast %broadcast_in_dim3A_321 : vector<1x128xi32> to vector<128x128xi32>
    %eq3A_323 = arith.cmpi eq, %broadcast_in_dim3A_317, %iota3A : vector<128x128xi32>
    %convert_element_type3A_324 = arith.extui %eq3A_323 : vector<128x128xi1> to vector<128x128xi32>
    %convert_element_type3A_325 = arith.sitofp %convert_element_type3A_324 : vector<128x128xi32> to vector<128x128xf32>
    %convert_element_type3A_326 = arith.truncf %convert_element_type3A_325 : vector<128x128xf32> to vector<128x128xbf16>
    %eq3A_327 = arith.cmpi eq, %broadcast_in_dim3A_322, %iota3A : vector<128x128xi32>
    %convert_element_type3A_328 = arith.extui %eq3A_327 : vector<128x128xi1> to vector<128x128xi32>
    %convert_element_type3A_329 = arith.sitofp %convert_element_type3A_328 : vector<128x128xi32> to vector<128x128xf32>
    %convert_element_type3A_330 = arith.truncf %convert_element_type3A_329 : vector<128x128xf32> to vector<128x128xbf16>
    %dot_general3A_331 = arith.constant dense<0.000000e+00> : vector<128x128xf32>
    %dot_general3A_332 = tpu.matmul %convert_element_type3A_326, %convert_element_type3A_330, %dot_general3A_331 {dimension_numbers = #tpu.dot_dimension_numbers<[1], [1], [0], [0], [0, 0, 1, 0], [], []>, transpose_lhs_hint = false} : vector<128x128xbf16>, vector<128x128xbf16>, vector<128x128xf32> -> vector<128x128xf32>
    %add3A_333 = arith.addf %add3A_309, %dot_general3A_332 : vector<128x128xf32>
    %get3A_334 = arith.constant 14 : index
    %get3A_335 = arith.constant 0 : index
    %get3A_336 = vector.load %arg1[%get3A_334, %get3A_335] : memref<16x128xi32, #tpu.memory_space<vmem>>, vector<1x128xi32>
    %shift_right_arithmetic3A_337 = arith.constant 7 : i32
    %shift_right_arithmetic3A_338 = vector.broadcast %shift_right_arithmetic3A_337 : i32 to vector<1x128xi32>
    %shift_right_arithmetic3A_339 = arith.shrsi %get3A_336, %shift_right_arithmetic3A_338 : vector<1x128xi32>
    %broadcast_in_dim3A_340 = vector.shape_cast %shift_right_arithmetic3A_339 : vector<1x128xi32> to vector<1x128xi32>
    %broadcast_in_dim3A_341 = vector.broadcast %broadcast_in_dim3A_340 : vector<1x128xi32> to vector<128x128xi32>
    %and3A_342 = arith.constant 127 : i32
    %and3A_343 = vector.broadcast %and3A_342 : i32 to vector<1x128xi32>
    %and3A_344 = arith.andi %get3A_336, %and3A_343 : vector<1x128xi32>
    %broadcast_in_dim3A_345 = vector.shape_cast %and3A_344 : vector<1x128xi32> to vector<1x128xi32>
    %broadcast_in_dim3A_346 = vector.broadcast %broadcast_in_dim3A_345 : vector<1x128xi32> to vector<128x128xi32>
    %eq3A_347 = arith.cmpi eq, %broadcast_in_dim3A_341, %iota3A : vector<128x128xi32>
    %convert_element_type3A_348 = arith.extui %eq3A_347 : vector<128x128xi1> to vector<128x128xi32>
    %convert_element_type3A_349 = arith.sitofp %convert_element_type3A_348 : vector<128x128xi32> to vector<128x128xf32>
    %convert_element_type3A_350 = arith.truncf %convert_element_type3A_349 : vector<128x128xf32> to vector<128x128xbf16>
    %eq3A_351 = arith.cmpi eq, %broadcast_in_dim3A_346, %iota3A : vector<128x128xi32>
    %convert_element_type3A_352 = arith.extui %eq3A_351 : vector<128x128xi1> to vector<128x128xi32>
    %convert_element_type3A_353 = arith.sitofp %convert_element_type3A_352 : vector<128x128xi32> to vector<128x128xf32>
    %convert_element_type3A_354 = arith.truncf %convert_element_type3A_353 : vector<128x128xf32> to vector<128x128xbf16>
    %dot_general3A_355 = arith.constant dense<0.000000e+00> : vector<128x128xf32>
    %dot_general3A_356 = tpu.matmul %convert_element_type3A_350, %convert_element_type3A_354, %dot_general3A_355 {dimension_numbers = #tpu.dot_dimension_numbers<[1], [1], [0], [0], [0, 0, 1, 0], [], []>, transpose_lhs_hint = false} : vector<128x128xbf16>, vector<128x128xbf16>, vector<128x128xf32> -> vector<128x128xf32>
    %add3A_357 = arith.addf %add3A_333, %dot_general3A_356 : vector<128x128xf32>
    %get3A_358 = arith.constant 15 : index
    %get3A_359 = arith.constant 0 : index
    %get3A_360 = vector.load %arg1[%get3A_358, %get3A_359] : memref<16x128xi32, #tpu.memory_space<vmem>>, vector<1x128xi32>
    %shift_right_arithmetic3A_361 = arith.constant 7 : i32
    %shift_right_arithmetic3A_362 = vector.broadcast %shift_right_arithmetic3A_361 : i32 to vector<1x128xi32>
    %shift_right_arithmetic3A_363 = arith.shrsi %get3A_360, %shift_right_arithmetic3A_362 : vector<1x128xi32>
    %broadcast_in_dim3A_364 = vector.shape_cast %shift_right_arithmetic3A_363 : vector<1x128xi32> to vector<1x128xi32>
    %broadcast_in_dim3A_365 = vector.broadcast %broadcast_in_dim3A_364 : vector<1x128xi32> to vector<128x128xi32>
    %and3A_366 = arith.constant 127 : i32
    %and3A_367 = vector.broadcast %and3A_366 : i32 to vector<1x128xi32>
    %and3A_368 = arith.andi %get3A_360, %and3A_367 : vector<1x128xi32>
    %broadcast_in_dim3A_369 = vector.shape_cast %and3A_368 : vector<1x128xi32> to vector<1x128xi32>
    %broadcast_in_dim3A_370 = vector.broadcast %broadcast_in_dim3A_369 : vector<1x128xi32> to vector<128x128xi32>
    %eq3A_371 = arith.cmpi eq, %broadcast_in_dim3A_365, %iota3A : vector<128x128xi32>
    %convert_element_type3A_372 = arith.extui %eq3A_371 : vector<128x128xi1> to vector<128x128xi32>
    %convert_element_type3A_373 = arith.sitofp %convert_element_type3A_372 : vector<128x128xi32> to vector<128x128xf32>
    %convert_element_type3A_374 = arith.truncf %convert_element_type3A_373 : vector<128x128xf32> to vector<128x128xbf16>
    %eq3A_375 = arith.cmpi eq, %broadcast_in_dim3A_370, %iota3A : vector<128x128xi32>
    %convert_element_type3A_376 = arith.extui %eq3A_375 : vector<128x128xi1> to vector<128x128xi32>
    %convert_element_type3A_377 = arith.sitofp %convert_element_type3A_376 : vector<128x128xi32> to vector<128x128xf32>
    %convert_element_type3A_378 = arith.truncf %convert_element_type3A_377 : vector<128x128xf32> to vector<128x128xbf16>
    %dot_general3A_379 = arith.constant dense<0.000000e+00> : vector<128x128xf32>
    %dot_general3A_380 = tpu.matmul %convert_element_type3A_374, %convert_element_type3A_378, %dot_general3A_379 {dimension_numbers = #tpu.dot_dimension_numbers<[1], [1], [0], [0], [0, 0, 1, 0], [], []>, transpose_lhs_hint = false} : vector<128x128xbf16>, vector<128x128xbf16>, vector<128x128xf32> -> vector<128x128xf32>
    %add3A_381 = arith.addf %add3A_357, %dot_general3A_380 : vector<128x128xf32>
    %get3A_382 = arith.constant 0 : index
    %get3A_383 = arith.constant 0 : index
    %get3A_384 = vector.load %arg2[%get3A_382, %get3A_383] : memref<128x128xf32, #tpu.memory_space<vmem>>, vector<128x128xf32>
    %add3A_385 = arith.addf %get3A_384, %add3A_381 : vector<128x128xf32>
    %swap3A = arith.constant 0 : index
    %swap3A_386 = arith.constant 0 : index
    %swap3A_387 = vector.load %arg2[%swap3A, %swap3A_386] : memref<128x128xf32, #tpu.memory_space<vmem>>, vector<128x128xf32>
    tpu.vector_store %arg2[%swap3A, %swap3A_386], %add3A_385 {strides = array<i32>} : memref<128x128xf32, #tpu.memory_space<vmem>>, vector<128x128xf32>,
    return
  }
  func.func @transform_0(%arg0: i32) -> (i32, i32) {
    %c0_i32 = arith.constant 0 : i32
    %c0_i32_0 = arith.constant 0 : i32
    return %arg0, %c0_i32 : i32, i32
  }
  func.func @transform_1(%arg0: i32) -> (i32, i32) {
    %c0_i32 = arith.constant 0 : i32
    %c0_i32_0 = arith.constant 0 : i32
    %c0_i32_1 = arith.constant 0 : i32
    return %c0_i32, %c0_i32_0 : i32, i32
  }
}

module attributes {stable_mosaic.version = 14 : i64} {
  func.func @_layer2_body(%arg0: i32, %arg1: memref<256x128xf32, #tpu.memory_space<vmem>>, %arg2: memref<2x256x128xf32, #tpu.memory_space<vmem>>, %arg3: memref<256x1xf32, #tpu.memory_space<vmem>>, %arg4: memref<128x128xf32, #tpu.memory_space<vmem>>, %arg5: memref<128x128xf32, #tpu.memory_space<vmem>>, %arg6: memref<1x128xf32, #tpu.memory_space<vmem>>, %arg7: memref<256x128xf32, #tpu.memory_space<vmem>>) attributes {dimension_semantics = [#tpu.dimension_semantics<arbitrary>], iteration_bounds = array<i64: 40>, scalar_prefetch = 0 : i64, scratch_operands = 0 : i64, tpu.core_type = #tpu.core_type<tc>, window_params = [{transform_indices = @transform_0, window_bounds = array<i64: 256, 128>}, {transform_indices = @transform_1, window_bounds = array<i64: 2, 256, 128>}, {transform_indices = @transform_2, window_bounds = array<i64: 256, 1>}, {pipeline_mode = #tpu.pipeline_mode<synchronous>, transform_indices = @transform_3, window_bounds = array<i64: 128, 128>}, {pipeline_mode = #tpu.pipeline_mode<synchronous>, transform_indices = @transform_4, window_bounds = array<i64: 128, 128>}, {pipeline_mode = #tpu.pipeline_mode<synchronous>, transform_indices = @transform_5, window_bounds = array<i64: 1, 128>}, {transform_indices = @transform_6, window_bounds = array<i64: 256, 128>}]} {
    %get3A = arith.constant 0 : index
    %get3A_0 = arith.constant 0 : index
    %get3A_1 = arith.constant 0 : index
    %get3A_2 = vector.load %arg2[%get3A, %get3A_0, %get3A_1] : memref<2x256x128xf32, #tpu.memory_space<vmem>>, vector<1x256x128xf32>
    %get3A_3 = vector.shape_cast %get3A_2 : vector<1x256x128xf32> to vector<256x128xf32>
    %get3A_4 = arith.constant 1 : index
    %get3A_5 = arith.constant 0 : index
    %get3A_6 = arith.constant 0 : index
    %get3A_7 = vector.load %arg2[%get3A_4, %get3A_5, %get3A_6] : memref<2x256x128xf32, #tpu.memory_space<vmem>>, vector<1x256x128xf32>
    %get3A_8 = vector.shape_cast %get3A_7 : vector<1x256x128xf32> to vector<256x128xf32>
    %add3A = arith.addf %get3A_3, %get3A_8 : vector<256x128xf32>
    %get3A_9 = arith.constant 0 : index
    %get3A_10 = arith.constant 0 : index
    %get3A_11 = vector.load %arg3[%get3A_9, %get3A_10] : memref<256x1xf32, #tpu.memory_space<vmem>>, vector<256x1xf32>
    %div3A = vector.broadcast %get3A_11 : vector<256x1xf32> to vector<256x128xf32>
    %div3A_12 = arith.divf %add3A, %div3A : vector<256x128xf32>
    %get3A_13 = arith.constant 0 : index
    %get3A_14 = arith.constant 0 : index
    %get3A_15 = vector.load %arg1[%get3A_13, %get3A_14] : memref<256x128xf32, #tpu.memory_space<vmem>>, vector<256x128xf32>
    %get3A_16 = arith.constant 0 : index
    %get3A_17 = arith.constant 0 : index
    %get3A_18 = vector.load %arg4[%get3A_16, %get3A_17] : memref<128x128xf32, #tpu.memory_space<vmem>>, vector<128x128xf32>
    %dot_general3A = arith.constant dense<0.000000e+00> : vector<256x128xf32>
    %dot_general3A_19 = tpu.matmul %get3A_15, %get3A_18, %dot_general3A {dimension_numbers = #tpu.dot_dimension_numbers<[1], [0], [0], [1], [0, 0, 1, 1], [], []>, transpose_lhs_hint = false} : vector<256x128xf32>, vector<128x128xf32>, vector<256x128xf32> -> vector<256x128xf32>
    %get3A_20 = arith.constant 0 : index
    %get3A_21 = arith.constant 0 : index
    %get3A_22 = vector.load %arg5[%get3A_20, %get3A_21] : memref<128x128xf32, #tpu.memory_space<vmem>>, vector<128x128xf32>
    %dot_general3A_23 = arith.constant dense<0.000000e+00> : vector<256x128xf32>
    %dot_general3A_24 = tpu.matmul %div3A_12, %get3A_22, %dot_general3A_23 {dimension_numbers = #tpu.dot_dimension_numbers<[1], [0], [0], [1], [0, 0, 1, 1], [], []>, transpose_lhs_hint = false} : vector<256x128xf32>, vector<128x128xf32>, vector<256x128xf32> -> vector<256x128xf32>
    %add3A_25 = arith.addf %dot_general3A_19, %dot_general3A_24 : vector<256x128xf32>
    %get3A_26 = arith.constant 0 : index
    %get3A_27 = arith.constant 0 : index
    %get3A_28 = vector.load %arg6[%get3A_26, %get3A_27] : memref<1x128xf32, #tpu.memory_space<vmem>>, vector<1x128xf32>
    %add3A_29 = vector.broadcast %get3A_28 : vector<1x128xf32> to vector<256x128xf32>
    %add3A_30 = arith.addf %add3A_25, %add3A_29 : vector<256x128xf32>
    %swap3A = arith.constant 0 : index
    %swap3A_31 = arith.constant 0 : index
    %swap3A_32 = vector.load %arg7[%swap3A, %swap3A_31] : memref<256x128xf32, #tpu.memory_space<vmem>>, vector<256x128xf32>
    tpu.vector_store %arg7[%swap3A, %swap3A_31], %add3A_30 {strides = array<i32>} : memref<256x128xf32, #tpu.memory_space<vmem>>, vector<256x128xf32>,
    return
  }
  func.func @transform_0(%arg0: i32) -> (i32, i32) {
    %c0_i32 = arith.constant 0 : i32
    %c0_i32_0 = arith.constant 0 : i32
    return %arg0, %c0_i32 : i32, i32
  }
  func.func @transform_1(%arg0: i32) -> (i32, i32, i32) {
    %c0_i32 = arith.constant 0 : i32
    %c0_i32_0 = arith.constant 0 : i32
    %c0_i32_1 = arith.constant 0 : i32
    return %c0_i32, %arg0, %c0_i32_0 : i32, i32, i32
  }
  func.func @transform_2(%arg0: i32) -> (i32, i32) {
    %c0_i32 = arith.constant 0 : i32
    %c0_i32_0 = arith.constant 0 : i32
    return %arg0, %c0_i32 : i32, i32
  }
  func.func @transform_3(%arg0: i32) -> (i32, i32) {
    %c0_i32 = arith.constant 0 : i32
    %c0_i32_0 = arith.constant 0 : i32
    %c0_i32_1 = arith.constant 0 : i32
    return %c0_i32, %c0_i32_0 : i32, i32
  }
  func.func @transform_4(%arg0: i32) -> (i32, i32) {
    %c0_i32 = arith.constant 0 : i32
    %c0_i32_0 = arith.constant 0 : i32
    %c0_i32_1 = arith.constant 0 : i32
    return %c0_i32, %c0_i32_0 : i32, i32
  }
  func.func @transform_5(%arg0: i32) -> (i32, i32) {
    %c0_i32 = arith.constant 0 : i32
    %c0_i32_0 = arith.constant 0 : i32
    %c0_i32_1 = arith.constant 0 : i32
    return %c0_i32, %c0_i32_0 : i32, i32
  }
  func.func @transform_6(%arg0: i32) -> (i32, i32) {
    %c0_i32 = arith.constant 0 : i32
    %c0_i32_0 = arith.constant 0 : i32
    return %arg0, %c0_i32 : i32, i32
  }
}

module attributes {stable_mosaic.version = 14 : i64} {
  func.func @_layer1_body(%arg0: i32, %arg1: memref<256x128xf32, #tpu.memory_space<vmem>>, %arg2: memref<2x256x128xf32, #tpu.memory_space<vmem>>, %arg3: memref<256x1xf32, #tpu.memory_space<vmem>>, %arg4: memref<256x128xf32, #tpu.memory_space<vmem>>, %arg5: memref<256x1xf32, #tpu.memory_space<vmem>>, %arg6: memref<1x1xf32, #tpu.memory_space<vmem>>, %arg7: memref<128x128xf32, #tpu.memory_space<vmem>>, %arg8: memref<128x128xf32, #tpu.memory_space<vmem>>, %arg9: memref<1x128xf32, #tpu.memory_space<vmem>>, %arg10: memref<256x128xf32, #tpu.memory_space<vmem>>, %arg11: memref<256x1xf32, #tpu.memory_space<vmem>>) attributes {dimension_semantics = [#tpu.dimension_semantics<arbitrary>], iteration_bounds = array<i64: 40>, scalar_prefetch = 0 : i64, scratch_operands = 0 : i64, tpu.core_type = #tpu.core_type<tc>, window_params = [{transform_indices = @transform_0, window_bounds = array<i64: 256, 128>}, {transform_indices = @transform_1, window_bounds = array<i64: 2, 256, 128>}, {transform_indices = @transform_2, window_bounds = array<i64: 256, 1>}, {transform_indices = @transform_3, window_bounds = array<i64: 256, 128>}, {transform_indices = @transform_4, window_bounds = array<i64: 256, 1>}, {pipeline_mode = #tpu.pipeline_mode<synchronous>, transform_indices = @transform_5, window_bounds = array<i64: 1, 1>}, {pipeline_mode = #tpu.pipeline_mode<synchronous>, transform_indices = @transform_6, window_bounds = array<i64: 128, 128>}, {pipeline_mode = #tpu.pipeline_mode<synchronous>, transform_indices = @transform_7, window_bounds = array<i64: 128, 128>}, {pipeline_mode = #tpu.pipeline_mode<synchronous>, transform_indices = @transform_8, window_bounds = array<i64: 1, 128>}, {transform_indices = @transform_9, window_bounds = array<i64: 256, 128>}, {transform_indices = @transform_10, window_bounds = array<i64: 256, 1>}]} {
    %get3A = arith.constant 0 : index
    %get3A_0 = arith.constant 0 : index
    %get3A_1 = arith.constant 0 : index
    %get3A_2 = vector.load %arg2[%get3A, %get3A_0, %get3A_1] : memref<2x256x128xf32, #tpu.memory_space<vmem>>, vector<1x256x128xf32>
    %get3A_3 = vector.shape_cast %get3A_2 : vector<1x256x128xf32> to vector<256x128xf32>
    %get3A_4 = arith.constant 1 : index
    %get3A_5 = arith.constant 0 : index
    %get3A_6 = arith.constant 0 : index
    %get3A_7 = vector.load %arg2[%get3A_4, %get3A_5, %get3A_6] : memref<2x256x128xf32, #tpu.memory_space<vmem>>, vector<1x256x128xf32>
    %get3A_8 = vector.shape_cast %get3A_7 : vector<1x256x128xf32> to vector<256x128xf32>
    %add3A = arith.addf %get3A_3, %get3A_8 : vector<256x128xf32>
    %get3A_9 = arith.constant 0 : index
    %get3A_10 = arith.constant 0 : index
    %get3A_11 = vector.load %arg3[%get3A_9, %get3A_10] : memref<256x1xf32, #tpu.memory_space<vmem>>, vector<256x1xf32>
    %max3A = arith.constant 1.000000e+00 : f32
    %max3A_12 = vector.broadcast %max3A : f32 to vector<256x1xf32>
    %max3A_13 = arith.maximumf %get3A_11, %max3A_12 : vector<256x1xf32>
    %div3A = vector.broadcast %max3A_13 : vector<256x1xf32> to vector<256x128xf32>
    %div3A_14 = arith.divf %add3A, %div3A : vector<256x128xf32>
    %get3A_15 = arith.constant 0 : index
    %get3A_16 = arith.constant 0 : index
    %get3A_17 = vector.load %arg1[%get3A_15, %get3A_16] : memref<256x128xf32, #tpu.memory_space<vmem>>, vector<256x128xf32>
    %get3A_18 = arith.constant 0 : index
    %get3A_19 = arith.constant 0 : index
    %get3A_20 = vector.load %arg7[%get3A_18, %get3A_19] : memref<128x128xf32, #tpu.memory_space<vmem>>, vector<128x128xf32>
    %dot_general3A = arith.constant dense<0.000000e+00> : vector<256x128xf32>
    %dot_general3A_21 = tpu.matmul %get3A_17, %get3A_20, %dot_general3A {dimension_numbers = #tpu.dot_dimension_numbers<[1], [0], [0], [1], [0, 0, 1, 1], [], []>, transpose_lhs_hint = false} : vector<256x128xf32>, vector<128x128xf32>, vector<256x128xf32> -> vector<256x128xf32>
    %get3A_22 = arith.constant 0 : index
    %get3A_23 = arith.constant 0 : index
    %get3A_24 = vector.load %arg8[%get3A_22, %get3A_23] : memref<128x128xf32, #tpu.memory_space<vmem>>, vector<128x128xf32>
    %dot_general3A_25 = arith.constant dense<0.000000e+00> : vector<256x128xf32>
    %dot_general3A_26 = tpu.matmul %div3A_14, %get3A_24, %dot_general3A_25 {dimension_numbers = #tpu.dot_dimension_numbers<[1], [0], [0], [1], [0, 0, 1, 1], [], []>, transpose_lhs_hint = false} : vector<256x128xf32>, vector<128x128xf32>, vector<256x128xf32> -> vector<256x128xf32>
    %add3A_27 = arith.addf %dot_general3A_21, %dot_general3A_26 : vector<256x128xf32>
    %get3A_28 = arith.constant 0 : index
    %get3A_29 = arith.constant 0 : index
    %get3A_30 = vector.load %arg9[%get3A_28, %get3A_29] : memref<1x128xf32, #tpu.memory_space<vmem>>, vector<1x128xf32>
    %add3A_31 = vector.broadcast %get3A_30 : vector<1x128xf32> to vector<256x128xf32>
    %add3A_32 = arith.addf %add3A_27, %add3A_31 : vector<256x128xf32>
    %get3A_33 = arith.constant 0 : index
    %get3A_34 = arith.constant 0 : index
    %get3A_35 = vector.load %arg4[%get3A_33, %get3A_34] : memref<256x128xf32, #tpu.memory_space<vmem>>, vector<256x128xf32>
    %get3A_36 = arith.constant 0 : index
    %get3A_37 = arith.constant 0 : index
    %get3A_38 = vector.load %arg8[%get3A_36, %get3A_37] : memref<128x128xf32, #tpu.memory_space<vmem>>, vector<128x128xf32>
    %dot_general3A_39 = arith.constant dense<0.000000e+00> : vector<256x128xf32>
    %dot_general3A_40 = tpu.matmul %get3A_35, %get3A_38, %dot_general3A_39 {dimension_numbers = #tpu.dot_dimension_numbers<[1], [0], [0], [1], [0, 0, 1, 1], [], []>, transpose_lhs_hint = false} : vector<256x128xf32>, vector<128x128xf32>, vector<256x128xf32> -> vector<256x128xf32>
    %get3A_41 = arith.constant 0 : index
    %get3A_42 = arith.constant 0 : index
    %get3A_43 = vector.load %arg9[%get3A_41, %get3A_42] : memref<1x128xf32, #tpu.memory_space<vmem>>, vector<1x128xf32>
    %add3A_44 = vector.broadcast %get3A_43 : vector<1x128xf32> to vector<256x128xf32>
    %add3A_45 = arith.addf %dot_general3A_40, %add3A_44 : vector<256x128xf32>
    %get3A_46 = arith.constant 0 : index
    %get3A_47 = arith.constant 0 : index
    %get3A_48 = vector.load %arg5[%get3A_46, %get3A_47] : memref<256x1xf32, #tpu.memory_space<vmem>>, vector<256x1xf32>
    %gt3A = arith.constant 0.000000e+00 : f32
    %gt3A_49 = vector.broadcast %gt3A : f32 to vector<256x1xf32>
    %gt3A_50 = arith.cmpf ogt, %get3A_48, %gt3A_49 : vector<256x1xf32>
    %get3A_51 = arith.constant 0 : index
    %get3A_52 = arith.constant 0 : index
    %get3A_53 = vector.load %arg6[%get3A_51, %get3A_52] : memref<1x1xf32, #tpu.memory_space<vmem>>, vector<1x1xf32>
    %get3A_54 = vector.extract %get3A_53[0, 0] : f32 from vector<1x1xf32>
    %gt3A_55 = arith.constant 0.000000e+00 : f32
    %gt3A_56 = arith.cmpf ogt, %get3A_54, %gt3A_55 : f32
    %and3A = vector.broadcast %gt3A_56 : i1 to vector<256x1xi1>
    %and3A_57 = arith.andi %gt3A_50, %and3A : vector<256x1xi1>
    %broadcast_in_dim3A = vector.shape_cast %and3A_57 : vector<256x1xi1> to vector<256x1xi1>
    %broadcast_in_dim3A_58 = vector.broadcast %broadcast_in_dim3A : vector<256x1xi1> to vector<256x128xi1>
    %select_n3A = arith.select %broadcast_in_dim3A_58, %add3A_45, %add3A_32 : vector<256x128xi1>, vector<256x128xf32>
    %max3A_59 = arith.constant 0.000000e+00 : f32
    %max3A_60 = vector.broadcast %max3A_59 : f32 to vector<256x128xf32>
    %max3A_61 = arith.maximumf %select_n3A, %max3A_60 : vector<256x128xf32>
    %swap3A = arith.constant 0 : index
    %swap3A_62 = arith.constant 0 : index
    %swap3A_63 = vector.load %arg10[%swap3A, %swap3A_62] : memref<256x128xf32, #tpu.memory_space<vmem>>, vector<256x128xf32>
    tpu.vector_store %arg10[%swap3A, %swap3A_62], %max3A_61 {strides = array<i32>} : memref<256x128xf32, #tpu.memory_space<vmem>>, vector<256x128xf32>,
    %swap3A_64 = arith.constant 0 : index
    %swap3A_65 = arith.constant 0 : index
    %swap3A_66 = vector.load %arg11[%swap3A_64, %swap3A_65] : memref<256x1xf32, #tpu.memory_space<vmem>>, vector<256x1xf32>
    tpu.vector_store %arg11[%swap3A_64, %swap3A_65], %max3A_13 {strides = array<i32>} : memref<256x1xf32, #tpu.memory_space<vmem>>, vector<256x1xf32>,
    return
  }
  func.func @transform_0(%arg0: i32) -> (i32, i32) {
    %c0_i32 = arith.constant 0 : i32
    %c0_i32_0 = arith.constant 0 : i32
    return %arg0, %c0_i32 : i32, i32
  }
  func.func @transform_1(%arg0: i32) -> (i32, i32, i32) {
    %c0_i32 = arith.constant 0 : i32
    %c0_i32_0 = arith.constant 0 : i32
    %c0_i32_1 = arith.constant 0 : i32
    return %c0_i32, %arg0, %c0_i32_0 : i32, i32, i32
  }
  func.func @transform_2(%arg0: i32) -> (i32, i32) {
    %c0_i32 = arith.constant 0 : i32
    %c0_i32_0 = arith.constant 0 : i32
    return %arg0, %c0_i32 : i32, i32
  }
  func.func @transform_3(%arg0: i32) -> (i32, i32) {
    %c0_i32 = arith.constant 0 : i32
    %c0_i32_0 = arith.constant 0 : i32
    return %arg0, %c0_i32 : i32, i32
  }
  func.func @transform_4(%arg0: i32) -> (i32, i32) {
    %c0_i32 = arith.constant 0 : i32
    %c0_i32_0 = arith.constant 0 : i32
    return %arg0, %c0_i32 : i32, i32
  }
  func.func @transform_5(%arg0: i32) -> (i32, i32) {
    %c0_i32 = arith.constant 0 : i32
    %c0_i32_0 = arith.constant 0 : i32
    %c0_i32_1 = arith.constant 0 : i32
    return %c0_i32, %c0_i32_0 : i32, i32
  }
  func.func @transform_6(%arg0: i32) -> (i32, i32) {
    %c0_i32 = arith.constant 0 : i32
    %c0_i32_0 = arith.constant 0 : i32
    %c0_i32_1 = arith.constant 0 : i32
    return %c0_i32, %c0_i32_0 : i32, i32
  }
  func.func @transform_7(%arg0: i32) -> (i32, i32) {
    %c0_i32 = arith.constant 0 : i32
    %c0_i32_0 = arith.constant 0 : i32
    %c0_i32_1 = arith.constant 0 : i32
    return %c0_i32, %c0_i32_0 : i32, i32
  }
  func.func @transform_8(%arg0: i32) -> (i32, i32) {
    %c0_i32 = arith.constant 0 : i32
    %c0_i32_0 = arith.constant 0 : i32
    %c0_i32_1 = arith.constant 0 : i32
    return %c0_i32, %c0_i32_0 : i32, i32
  }
  func.func @transform_9(%arg0: i32) -> (i32, i32) {
    %c0_i32 = arith.constant 0 : i32
    %c0_i32_0 = arith.constant 0 : i32
    return %arg0, %c0_i32 : i32, i32
  }
  func.func @transform_10(%arg0: i32) -> (i32, i32) {
    %c0_i32 = arith.constant 0 : i32
    %c0_i32_0 = arith.constant 0 : i32
    return %arg0, %c0_i32 : i32, i32
  }
}

</mosaic_0001>

<sc_bundles>
// kernel: kernel.12.cloned.1.call-start
scs
__scs_entry_jumppad:
0x0: {  	(pc) =	sbr.rel $0x88, $3  }
0x1: {  	(tag) =	ssettag $0x0;
	lr =	simm.s32 $0x1  }
0x2: {  	[smem:$0x3F96] =	sst lr;
	_ =	strace $0xD0000000  }
0x3: {  	_ = 	snop  }
0x4: {  	_ = 	snop  }
0x5: {  	_ = 	snop  }
0x6: {  	_ = 	snop  }
0x7: {  	_ = 	snop  }
__scs_overlays_trampoline_lowered:
0x8: {  	[smem:$0x3FA5] =	sst s0  }
0x9: {  	[smem:$0x3FA6] =	sst s1  }
0xa: {  	[smem:$0x3FA7] =	sst s2  }
0xb: {  	[smem:$0x3FA8] =	sst s3  }
0xc: {  	[smem:$0x3FA9] =	sst s4  }
0xd: {  	[smem:$0x3FAA] =	sst s5  }
0xe: {  	[smem:$0x3FAB] =	sst s6  }
0xf: {  	[smem:$0x3FAC] =	sst s7  }
0x10: {  	[smem:$0x3FAD] =	sst s8  }
0x11: {  	[smem:$0x3FAE] =	sst s9;
	s0 =	simm.s32 @!p0 $0x0  }
0x12: {  	s1 =	sld [smem:$0x3F94];
	s0 =	simm.s32 @p0 $0x1  }
0x13: {  	[smem:$0x3FAF] =	sst s0;
	s0 =	simm.s32 @!p1 $0x0  }
0x14: {  	s2 =	sld [smem:$0x3F93];
	s0 =	simm.s32 @p1 $0x1  }
0x15: {  	[smem:$0x3FB0] =	sst s0;
	s0 =	simm.s32 @!p2 $0x0  }
0x16: {  	s3 =	sld [smem:$0x3FDB];
	s0 =	simm.s32 @p2 $0x1  }
0x17: {  	s4 =	simm.s32 $0x1BF5;
	[smem:$0x3FB2] =	sst s0  }
0x18: {  	s0 =	sld [smem:$0x3F95];
	_ =	swait.ge [sflag:s4], $0x0  }
0x19: {  	s7 =	sld [smem:$0x3F96]  }
0x1a: {  	s8 =	sadd.s32 $0xFFFFE003, lr  }
0x1b: {  	s9 =	sadd.s32 $0xFFFFFEF7, lr;
	s5 =	simm.s32 $0xFFFFFFFF;
	p2 =	slt.u32 s8, $0xFFFFF086  }
0x1c: {  	p1 =	slt.u32 s9, $0xF7A;
	s5 =	simm.s32 @!p2 $0x0  }
0x1d: {  	s5 =	simm.s32 @p1 $0x1;
	p0 =	seq.s32 s7, s2  }
0x1e: {  	s7 =	smul.u32 @!p0 $0xF7A, s2;
	p2 =	seq.s32 @!p0 s5, $0x0  }
0x1f: {  	s9 =	smul.u32 $0xF7A, s1;
	s8 =	simm.s32 @!p0 $0x1BF5;
	p2 =	por !p2, p0  }
0x20: {  	[sflag:s8] =	ssyncset.s32 @!p0 $0xFFFFF086;
	s6 =	sadd.s32 @!p0 s3, s7;
	s7 =	simm.s32 @!p0 $0x108  }
0x21: {  	s3 =	sadd.s32 s3, s9;
	s6 =	sadd.s32 @!p0 $0x88, s6;
	s7 =	simm.s32 @p2 $0x1082  }
0x22: {  	[simem:s7], [sflag:s8] =	dma.local @!p0 [hbm:s6], $0xF7A  }
0x23: {  	s9 =	sor.u32 $0xD0000000, s2;
	s6 =	simm.s32 $0x108;
	_ =	swait.ge @!p0 [sflag:s8], $0x0  }
0x24: {  	s3 =	sadd.s32 $0x88, s3;
	s6 =	simm.s32 @!p1 $0x1082;
	[sflag:s4] =	ssyncset.s32 $0xFFFFF086  }
0x25: {  	[simem:s6], [sflag:s4] =	dma.local [hbm:s3], $0xF7A  }
0x26: {  	[smem:$0x3F96] =	sst s1;
	(tag) =	ssettag s2;
	_ =	strace s9  }
0x27: {  	s1 =	sld [smem:$0x3FA6]  }
0x28: {  	s2 =	sld [smem:$0x3FA7]  }
0x29: {  	s4 =	sld [smem:$0x3FA9]  }
0x2a: {  	p0 =	seq.s32 s5, $0x0;
	s5 =	sld [smem:$0x3FAA]  }
0x2b: {  	s6 =	sld [smem:$0x3FAB]  }
0x2c: {  	s7 =	sld [smem:$0x3FAC]  }
0x2d: {  	s3 =	simm.s32 $0x108;
	s8 =	sld [smem:$0x3FAD]  }
0x2e: {  	s3 =	simm.s32 @!p0 $0x1082;
	s9 =	sld [smem:$0x3FAE]  }
0x2f: {  	lr =	sadd.s32 s0, s3;
	s0 =	sld [smem:$0x3FA5]  }
0x30: {  	s3 =	sld [smem:$0x3FA8]  }
0x31: {  	[smem:$0x3FB1] =	sst s10  }
0x32: {  	s10 =	sld [smem:$0x3FAF];
	_ =	sdelay $0x3  }
0x33: {  	p0 =	seq.s32 s10, $0x1;
	s10 =	sld [smem:$0x3FB1];
	_ =	sdelay $0x3  }
0x34: {  	[smem:$0x3FB1] =	sst s10  }
0x35: {  	s10 =	sld [smem:$0x3FB0];
	_ =	sdelay $0x3  }
0x36: {  	p1 =	seq.s32 s10, $0x1;
	s10 =	sld [smem:$0x3FB1];
	_ =	sdelay $0x3  }
0x37: {  	[smem:$0x3FB1] =	sst s10  }
0x38: {  	s10 =	sld [smem:$0x3FB2]  }
0x39: {  	_ = 	snop;
	(pc) =	sbr.ind lr, $3  }
0x3a: {  	_ = 	snop  }
0x3b: {  	_ = 	snop  }
0x3c: {  	p2 =	seq.s32 s10, $0x1;
	s10 =	sld [smem:$0x3FB1]  }
0x3d: {  	_ =	shalt  }
0x3e: {  	_ =	shalt  }
0x3f: {  	_ =	shalt  }
0x40: {  	_ =	shalt  }
0x41: {  	_ =	shalt  }
0x42: {  	_ =	shalt  }
0x43: {  	_ =	shalt  }
0x44: {  	_ =	shalt  }
0x45: {  	_ =	shalt  }
0x46: {  	_ =	shalt  }
0x47: {  	_ =	shalt  }
0x48: {  	_ =	shalt  }
0x49: {  	_ =	shalt  }
0x4a: {  	_ =	shalt  }
0x4b: {  	_ =	shalt  }
0x4c: {  	_ =	shalt  }
0x4d: {  	_ =	shalt  }
0x4e: {  	_ =	shalt  }
0x4f: {  	_ =	shalt  }
0x50: {  	_ =	shalt  }
0x51: {  	_ =	shalt  }
0x52: {  	_ =	shalt  }
0x53: {  	_ =	shalt  }
0x54: {  	_ =	shalt  }
0x55: {  	_ =	shalt  }
0x56: {  	_ =	shalt  }
0x57: {  	_ =	shalt  }
0x58: {  	_ =	shalt  }
0x59: {  	_ =	shalt  }
0x5a: {  	_ =	shalt  }
0x5b: {  	_ =	shalt  }
0x5c: {  	_ =	shalt  }
0x5d: {  	_ =	shalt  }
0x5e: {  	_ =	shalt  }
0x5f: {  	_ =	shalt  }
0x60: {  	_ =	shalt  }
0x61: {  	_ =	shalt  }
0x62: {  	_ =	shalt  }
0x63: {  	_ =	shalt  }
0x64: {  	_ =	shalt  }
0x65: {  	_ =	shalt  }
0x66: {  	_ =	shalt  }
0x67: {  	_ =	shalt  }
0x68: {  	_ =	shalt  }
0x69: {  	_ =	shalt  }
0x6a: {  	_ =	shalt  }
0x6b: {  	_ =	shalt  }
0x6c: {  	_ =	shalt  }
0x6d: {  	_ =	shalt  }
0x6e: {  	_ =	shalt  }
0x6f: {  	_ =	shalt  }
0x70: {  	_ =	shalt  }
0x71: {  	_ =	shalt  }
0x72: {  	_ =	shalt  }
0x73: {  	_ =	shalt  }
0x74: {  	_ =	shalt  }
0x75: {  	_ =	shalt  }
0x76: {  	_ =	shalt  }
0x77: {  	_ =	shalt  }
0x78: {  	_ =	shalt  }
0x79: {  	_ =	shalt  }
0x7a: {  	_ =	shalt  }
0x7b: {  	_ =	shalt  }
0x7c: {  	_ =	shalt  }
0x7d: {  	_ =	shalt  }
0x7e: {  	_ =	shalt  }
0x7f: {  	_ =	shalt  }
0x80: {  	_ =	shalt  }
0x81: {  	_ =	shalt  }
0x82: {  	_ =	shalt  }
0x83: {  	_ =	shalt  }
0x84: {  	_ =	shalt  }
0x85: {  	_ =	shalt  }
0x86: {  	_ =	shalt  }
0x87: {  	_ =	shalt  }
.Lfunc_end0:
.L_simem_size_0:
called_computation.1_lowered:
.L_overlay_start_0:
0x88: {  	s2 =	sld [smem:$0x3FD9]  }
0x89: {  	s3 =	sld [smem:$0x3FFE];
	_ =	sdelay $0x1  }
0x8a: {  	s1 =	srdreg.scid  }
0x8b: {  	s0 =	sand.u32 $0x1, s1  }
0x8c: {  	s17 =	sshll.u32 s0, $0xA;
	s2 =	sadd.s32 s3, s2  }
0x8d: {  	s2 =	sadd.s32 s2, s17  }
0x8e: {  	[smem:$0x3FBD] =	sst s2  }
0x8f: {  	_ = 	snop  }
0x90: {  	s2 =	sld [smem:$0x3FD0];
	(tm) =	ssettm $0x1  }
0x91: {  	s18 =	sld [smem:$0x3FFB];
	_ =	sdelay $0x3  }
0x92: {  	_ =	strace s18  }
0x93: {  	s3 =	sld [smem:$0x3FFC];
	_ =	sdelay $0x3  }
0x94: {  	_ =	strace s3  }
0x95: {  	s3 =	sld [smem:$0x3FFD];
	_ =	sdelay $0x3  }
0x96: {  	_ =	strace s3  }
0x97: {  	_ =	strace $0x8FFFFFFF  }
0x98: {  	s19 =	sld [smem:$0x3FDB];
	_ =	sdelay $0x1  }
0x99: {  	s4 =	simm.s32 $_scs_section_size  }
0x9a: {  	s5 =	simm.s32 $_size__tile_overlayer_lowered;
	s6 =	simm.s32 $_tile_overlayer_lowered  }
0x9b: {  	s22 =	simm.s32 $0x1BFF;
	s21 =	sshll.u32 s6, $0x1;
	s3 =	sadd.s32 s4, s19  }
0x9c: {  	s7 =	simm.s32 $0x0;
	s20 =	sshll.u32 s5, $0x1;
	s5 =	sadd.s32 s21, s3  }
0x9d: {  	[timem:s7], [sflag:s22] =	dma.local [hbm:s5], s20  }
0x9e: {  	_ =	swait.ge [sflag:s22], s20  }
0x9f: {  	s4 =	ssub.s32 $0x0, s20;
	[sflag:s22] =	ssyncset.done $0x0  }
0xa0: {  	[sflag:s22] =	ssyncadd.s32 s4;
	_ =	sdelay $0x1  }
0xa1: {  	s23 =	simm.s32 $0x1B8B  }
0xa2: {  	_ =	swait.ge [sflag:s23], $0x1  }
0xa3: {  	[sflag:s23] =	ssyncset.done $0x0  }
0xa4: {  	s25 =	simm.s32 $0x1B8E;
	s24 =	sld [smem:$0x3FFE];
	[sflag:s23] =	ssyncadd.s32 $0xFFFFFFFF  }
0xa5: {  	s26 =	simm.s32 $execute0_lowered;
	[smem:$0x3FD2] =	sst s25  }
0xa6: {  	s5 =	sshll.u32 s26, $0x1;
	_ =	strace $0x80000049;
	[dreg:$0x1] =	wrdreg $0xFFFFFFFF  }
0xa7: {  	s28 =	simm.s32 $_size_execute0_lowered;
	s3 =	sadd.s32 s3, s5;
	[dreg:$0x0] =	wrdreg $0x0  }
0xa8: {  	s5 =	sshll.u32 s28, $0x1;
	[dreg:$0x2] =	wrdreg s3  }
0xa9: {  	[dreg:$0x3] =	wrdreg s5  }
0xaa: {  	[dreg:$0x4] =	wrdreg $0xC0  }
0xab: {  	_ =	task [dreg:s7], $0x5FFFF  }
0xac: {  	[dreg:$0x1] =	wrdreg $0xFFFFFFFF  }
0xad: {  	[dreg:$0x0] =	wrdreg $0x60  }
0xae: {  	[dreg:$0x2] =	wrdreg s24  }
0xaf: {  	[dreg:$0x3] =	wrdreg s2  }
0xb0: {  	[dreg:$0x4] =	wrdreg $0xBC000  }
0xb1: {  	[dreg:$0x5] =	wrdreg $0x9  }
0xb2: {  	_ =	task.clear_ibuf [dreg:s7], $0x6FFFF;
	_ =	strace $0x90000049  }
0xb3: {  	s29 =	simm.s32 $0x9;
	_ =	strace $0x8000004B  }
0xb4: {  	_ =	swait.ge [sflag:s29], $0x1  }
0xb5: {  	[sflag:s29] =	ssyncadd.s32 $0xFFFFFFFF  }
0xb6: {  	_ =	strace $0x9000004B  }
0xb7: {  	_ =	sfence  }
0xb8: {  	s30 =	sld [smem:$0x0];
	_ =	sdelay $0x2  }
0xb9: {  	s31 =	sshll.u32 s1, $0xD;
	s1 =	sshrl.u32 s1, $0x2  }
0xba: {  	s3 =	sand.u32 $0x4000, s31;
	s1 =	sadd.s32 s1, s30  }
0xbb: {  	s0 =	sor.u32 s3, s0;
	s1 =	sshll.u32 s1, $0x11  }
0xbc: {  	s0 =	sor.u32 s1, s0  }
0xbd: {  	s0 =	sadd.s32 $0x8F2B, s0  }
0xbe: {  	[sflag:s0] =	ssyncadd.remote.s32 $0x1  }
0xbf: {  	_ =	sfence.sel $0xFFFF  }
0xc0: {  	[dreg:$0x0] =	wrdreg $0xFFFFFFFF;
	(pc) =	sbr.abs _section_cstart, $3  }
0xc1: {  	[dreg:$0x1] =	wrdreg $0xFFFFFFFF  }
0xc2: {  	_ =	task.clear_ibuf [dreg:s7], $0x2FFFF;
	_ =	strace $0x9FFFFFFF  }
0xc3: {  	(tm) =	ssettm $0x7FFFFFFF  }
tec
execute0_lowered:
.L_overlay_start_1:
0x0: {  	(tag) =	ssettag $0x1  }
0x1: {  	s6 =	rddreg [dreg:$0x0]  }
0x2: {  	s12 =	rddreg [dreg:$0x1]  }
0x3: {  	s1 =	rddreg [dreg:$0x2]  }
0x4: {  	s2 =	srdreg.scid;
	s0 =	rddreg [dreg:$0x3];
	s3 =	simm.s32 $0x0  }
0x5: {  	s17 =	simm.s32 $0x3;
	s18 =	simm.s32 $0x1400;
	s19 =	simm.s32 $0x80  }
0x6: {  	s20 =	simm.s32 $0x7C00;
	s21 =	simm.s32 $0x1480;
	s22 =	simm.s32 $0x1  }
0x7: {  	s23 =	simm.s32 $0x2;
	s24 =	simm.s32 $0x2800;
	s5 =	sand.u32 $0x1, s2  }
0x8: {  	s25 =	simm.s32 $0x0;
	s2 =	stileid.u32;
	s7 =	smul.u32 $0x140000, s5  }
0x9: {  	[smem:$0x7FF] =	sst s3;
	s4 =	sadd.s32 $0xD200, s6;
	s8 =	smul.u32 $0x14000, s2  }
0xa: {  	s13 =	sadd.s32 $0x3200, s6;
	s29 =	smul.u32 $0x50000, s2;
	s9 =	sshll.u32 s2, $0x1  }
0xb: {  	_ =	strace $0x8000004A;
	s10 =	ssub.s32 $0x2, s5;
	s9 =	sor.u32 s5, s9  }
0xc: {  	s31 =	sshrl.u32 s10, $0x1;
	s7 =	sadd.s32 s8, s7;
	s30 =	sshrl.u32 s29, $0x2  }
0xd: {  	s9 =	smul.u32 $0x2800, s9;
	s15 =	ssub.s32 s10, s31;
	s7 =	sshrl.u32 s7, $0x3  }
0xe: {  	s5 =	sadd.s32 s30, s1;
	s15 =	smax.u32 s15, $0x1;
	s14 =	sadd.s32 s7, s6  }
0xf: {  	s6 =	sadd.s32 $0x4000, s5;
	s7 =	sadd.s32 $0x8000, s5;
	s11 =	sshrl.u32 s9, $0x3  }
0x10: {  	s8 =	sadd.s32 $0xC000, s5;
	s9 =	sadd.s32 $0x10000, s5;
	s10 =	sadd.s32 s12, s11  }
0x11: {  	s16 =	sadd.s32 $0x280, s11;
	s11 =	sadd.s32 s13, s11;
	s14 =	sadd.s32 $0x35200, s14  }
0x12: {  	v0 =	vimm.f32 $0.0e+00;
	s12 =	sadd.s32 s12, s16;
	s13 =	sadd.s32 s13, s16;
	s16 =	simm.s32 $0x3C00  }
.LBB2_1:
0x13: {  	s26 =	sand.u32 $0xFE00, s3  }
0x14: {  	s28 =	sand.u32 $0x70, s3;
	s29 =	sshrl.u32 s26, $0x2  }
0x15: {  	s26 =	simm.s32 $0x40;
	s29 =	sor.u32 s28, s29;
	s28 =	simm.s32 $0x0  }
.LBB2_2:
0x16: {  	p0 =	sne.s32 s26, $0xFFC0  }
0x17: {  	[tilespmem:s29+$0x3C00] =	vst v0;
	s28 =	sadd.s32 $0x10, s28;
	s29 =	smov.u32 s26;
	s26 =	sadd.s32 $0x40, s26  }
.Ltmp0:
0x18: {  	(pc) =	sbr.rel @p0 .LBB2_2-.Ltmp0, $4  }
0x19: {  	_ = 	snop  }
0x1a: {  	s29 =	sand.u32 $0xFE00, s29  }
0x1b: {  	s30 =	sand.u32 $0x70, s28;
	s29 =	sshrl.u32 s29, $0x2  }
0x1c: {  	s29 =	sor.u32 s30, s29  }
0x1d: {  	[tilespmem:s29+$0x3C00] =	vst v0  }
0x1e: {  	[spmem:s5] =	stream.linear.scatter [tilespmem:s16], [sflag:$0x3], $0x4000, $0x38;
	[tilespmem:$0x1FC00] =	vst v63  }
0x1f: {  	_ =	swait.ge [sflag:s17], $0x4000  }
0x20: {  	[sflag:s17] =	ssyncset.done $0x0  }
0x21: {  	[sflag:s17] =	ssyncadd.s32 $0xFFFFC000  }
0x22: {  	[spmem:s6] =	stream.linear.scatter [tilespmem:s16], [sflag:$0x3], $0x4000, $0x38;
	[tilespmem:$0x1FC00] =	vst v63  }
0x23: {  	_ =	swait.ge [sflag:s17], $0x4000  }
0x24: {  	[sflag:s17] =	ssyncset.done $0x0  }
0x25: {  	[sflag:s17] =	ssyncadd.s32 $0xFFFFC000  }
0x26: {  	[spmem:s7] =	stream.linear.scatter [tilespmem:s16], [sflag:$0x3], $0x4000, $0x38;
	[tilespmem:$0x1FC00] =	vst v63  }
0x27: {  	_ =	swait.ge [sflag:s17], $0x4000  }
0x28: {  	[sflag:s17] =	ssyncset.done $0x0  }
0x29: {  	[sflag:s17] =	ssyncadd.s32 $0xFFFFC000  }
0x2a: {  	[spmem:s8] =	stream.linear.scatter [tilespmem:s16], [sflag:$0x3], $0x4000, $0x38;
	[tilespmem:$0x1FC00] =	vst v63  }
0x2b: {  	_ =	swait.ge [sflag:s17], $0x4000  }
0x2c: {  	[sflag:s17] =	ssyncset.done $0x0  }
0x2d: {  	[sflag:s17] =	ssyncadd.s32 $0xFFFFC000  }
0x2e: {  	[spmem:s9] =	stream.linear.scatter [tilespmem:s16], [sflag:$0x3], $0x4000, $0x38;
	[tilespmem:$0x1FC00] =	vst v63  }
0x2f: {  	_ =	swait.ge [sflag:s17], $0x4000  }
0x30: {  	[sflag:s17] =	ssyncset.done $0x0  }
0x31: {  	[sflag:s17] =	ssyncadd.s32 $0xFFFFC000  }
0x32: {  	[bflag:$0x0] =	sbarrier.arrive $0xFFFF  }
0x33: {  	[tilespmem:s3], [sflag:$0x3] =	stream.linear.gather [hbm4b:s10+s3], $0x1400, $0x38;
	[tilespmem:$0x1FC00] =	vst v63  }
0x34: {  	_ =	swait.ge [sflag:s17], $0x1400  }
0x35: {  	[sflag:s17] =	ssyncset.done $0x0  }
0x36: {  	[sflag:s17] =	ssyncadd.s32 $0xFFFFEC00  }
0x37: {  	[tilespmem:s18], [sflag:$0x3] =	stream.linear.gather [hbm4b:s11+s3], $0x1400, $0x38;
	[tilespmem:$0x1FC00] =	vst v63  }
0x38: {  	_ =	swait.ge [sflag:s17], $0x1400  }
0x39: {  	[sflag:s17] =	ssyncset.done $0x0  }
0x3a: {  	[sflag:s17] =	ssyncadd.s32 $0xFFFFEC00  }
0x3b: {  	[tilespmem:s16], [sflag:$0x3] =	stream.indirect.gather [hbm4b:s4+s19], $0x80, s3, s19, $0xb8;
	[tilespmem:$0x1FC00] =	vst v63  }
0x3c: {  	_ =	swait.ge [sflag:s17], $0x4000  }
0x3d: {  	[sflag:s17] =	ssyncset.done $0x0  }
0x3e: {  	[sflag:s17] =	ssyncadd.s32 $0xFFFFC000  }
0x3f: {  	[spmem:s1] =	stream.indirect.scatter.add.f32 [tilespmem:s16], [sflag:$0x1], $0x80, s18, s19, $0xb8;
	[tilespmem:$0x1FC00] =	vst v63  }
0x40: {  	_ = 	snop  }
0x41: {  	[tilespmem:s20], [sflag:$0x3] =	stream.indirect.gather [hbm4b:s4+s19], $0x80, s19, s19, $0xb8;
	[tilespmem:$0x1FC00] =	vst v63  }
0x42: {  	_ =	swait.ge [sflag:s17], $0x4000  }
0x43: {  	[sflag:s17] =	ssyncset.done $0x0  }
0x44: {  	[sflag:s17] =	ssyncadd.s32 $0xFFFFC000  }
0x45: {  	[spmem:s1] =	stream.indirect.scatter.add.f32 [tilespmem:s20], [sflag:$0x2], $0x80, s21, s19, $0xb8;
	[tilespmem:$0x1FC00] =	vst v63  }
0x46: {  	_ =	swait.ge [sflag:s22], $0x4000  }
0x47: {  	[sflag:s22] =	ssyncset.done $0x0  }
0x48: {  	s26 =	simm.s32 $0x100;
	[sflag:s22] =	ssyncadd.s32 $0xFFFFC000  }
0x49: {  	[tilespmem:s16], [sflag:$0x3] =	stream.indirect.gather [hbm4b:s4+s19], $0x80, s26, s19, $0xb8;
	[tilespmem:$0x1FC00] =	vst v63  }
0x4a: {  	_ =	swait.ge [sflag:s17], $0x4000  }
0x4b: {  	[sflag:s17] =	ssyncset.done $0x0  }
0x4c: {  	s30 =	simm.s32 $0x1500;
	[sflag:s17] =	ssyncadd.s32 $0xFFFFC000  }
0x4d: {  	[spmem:s1] =	stream.indirect.scatter.add.f32 [tilespmem:s16], [sflag:$0x1], $0x80, s30, s19, $0xb8;
	[tilespmem:$0x1FC00] =	vst v63  }
0x4e: {  	_ =	swait.ge [sflag:s23], $0x4000  }
0x4f: {  	[sflag:s23] =	ssyncset.done $0x0  }
0x50: {  	s31 =	simm.s32 $0x180;
	[sflag:s23] =	ssyncadd.s32 $0xFFFFC000  }
0x51: {  	[tilespmem:s20], [sflag:$0x3] =	stream.indirect.gather [hbm4b:s4+s19], $0x80, s31, s19, $0xb8;
	[tilespmem:$0x1FC00] =	vst v63  }
0x52: {  	_ =	swait.ge [sflag:s17], $0x4000  }
0x53: {  	[sflag:s17] =	ssyncset.done $0x0  }
0x54: {  	s28 =	simm.s32 $0x1580;
	s26 =	simm.s32 $0xFFFFB800;
	[sflag:s17] =	ssyncadd.s32 $0xFFFFC000  }
.LBB2_4:
0x55: {  	[spmem:s1] =	stream.indirect.scatter.add.f32 [tilespmem:s20], [sflag:$0x2], $0x80, s28, s19, $0xb8;
	[tilespmem:$0x1FC00] =	vst v63  }
0x56: {  	s28 =	smov.u32 s26  }
0x57: {  	p0 =	sne.s32 s26, $0xFFFFFC00;
	s26 =	sadd.s32 $0x400, s26;
	_ =	swait.ge [sflag:s22], $0x4000  }
0x58: {  	s28 =	sshra.s32 s28, $0x2;
	[sflag:s22] =	ssyncset.done $0x0  }
0x59: {  	s29 =	sadd.s32 $0x1400, s28;
	[sflag:s22] =	ssyncadd.s32 $0xFFFFC000  }
0x5a: {  	[tilespmem:s16], [sflag:$0x3] =	stream.indirect.gather [hbm4b:s4+s19], $0x80, s29, s19, $0xb8;
	[tilespmem:$0x1FC00] =	vst v63  }
0x5b: {  	_ =	swait.ge [sflag:s17], $0x4000  }
0x5c: {  	[sflag:s17] =	ssyncset.done $0x0  }
0x5d: {  	s29 =	sadd.s32 $0x2800, s28;
	[sflag:s17] =	ssyncadd.s32 $0xFFFFC000  }
0x5e: {  	[spmem:s1] =	stream.indirect.scatter.add.f32 [tilespmem:s16], [sflag:$0x1], $0x80, s29, s19, $0xb8;
	[tilespmem:$0x1FC00] =	vst v63  }
0x5f: {  	_ =	swait.ge [sflag:s23], $0x4000  }
0x60: {  	[sflag:s23] =	ssyncset.done $0x0  }
.Ltmp1:
0x61: {  	s29 =	sadd.s32 $0x1480, s28;
	[sflag:s23] =	ssyncadd.s32 $0xFFFFC000;
	(pc) =	sbr.rel @p0 .LBB2_4-.Ltmp1, $4  }
0x62: {  	[tilespmem:s20], [sflag:$0x3] =	stream.indirect.gather [hbm4b:s4+s19], $0x80, s29, s19, $0xb8;
	[tilespmem:$0x1FC00] =	vst v63  }
0x63: {  	_ =	swait.ge [sflag:s17], $0x4000  }
0x64: {  	[sflag:s17] =	ssyncset.done $0x0  }
0x65: {  	s28 =	sadd.s32 $0x2880, s28;
	[sflag:s17] =	ssyncadd.s32 $0xFFFFC000  }
0x66: {  	[spmem:s1] =	stream.indirect.scatter.add.f32 [tilespmem:s20], [sflag:$0x2], $0x80, s28, s19, $0xb8;
	[tilespmem:$0x1FC00] =	vst v63  }
0x67: {  	s26 =	simm.s32 $0x0  }
0x68: {  	[tilespmem:s26], [sflag:$0x3] =	stream.linear.gather [hbm4b:s12+s26], $0x1400, $0x38;
	[tilespmem:$0x1FC00] =	vst v63  }
0x69: {  	_ =	swait.ge [sflag:s17], $0x1400  }
0x6a: {  	[sflag:s17] =	ssyncset.done $0x0  }
0x6b: {  	[sflag:s17] =	ssyncadd.s32 $0xFFFFEC00  }
0x6c: {  	[tilespmem:s24], [sflag:$0x3] =	stream.linear.gather [hbm4b:s13+s26], $0x1400, $0x38;
	[tilespmem:$0x1FC00] =	vst v63  }
0x6d: {  	_ =	swait.ge [sflag:s17], $0x1400  }
0x6e: {  	[sflag:s17] =	ssyncset.done $0x0  }
0x6f: {  	[sflag:s17] =	ssyncadd.s32 $0xFFFFEC00  }
0x70: {  	_ =	swait.ge [sflag:s22], $0x4000  }
0x71: {  	[sflag:s22] =	ssyncset.done $0x0  }
0x72: {  	s29 =	simm.s32 $0x0;
	[sflag:s22] =	ssyncadd.s32 $0xFFFFC000  }
0x73: {  	[tilespmem:s16], [sflag:$0x3] =	stream.indirect.gather [hbm4b:s4+s19], $0x80, s29, s19, $0xb8;
	[tilespmem:$0x1FC00] =	vst v63  }
0x74: {  	_ =	swait.ge [sflag:s17], $0x4000  }
0x75: {  	[sflag:s17] =	ssyncset.done $0x0  }
0x76: {  	s30 =	simm.s32 $0x2800;
	[sflag:s17] =	ssyncadd.s32 $0xFFFFC000  }
0x77: {  	[spmem:s1] =	stream.indirect.scatter.add.f32 [tilespmem:s16], [sflag:$0x1], $0x80, s30, s19, $0xb8;
	[tilespmem:$0x1FC00] =	vst v63  }
0x78: {  	_ =	swait.ge [sflag:s23], $0x4000  }
0x79: {  	[sflag:s23] =	ssyncset.done $0x0  }
0x7a: {  	s31 =	simm.s32 $0x80;
	[sflag:s23] =	ssyncadd.s32 $0xFFFFC000  }
0x7b: {  	[tilespmem:s20], [sflag:$0x3] =	stream.indirect.gather [hbm4b:s4+s19], $0x80, s31, s19, $0xb8;
	[tilespmem:$0x1FC00] =	vst v63  }
0x7c: {  	_ =	swait.ge [sflag:s17], $0x4000  }
0x7d: {  	[sflag:s17] =	ssyncset.done $0x0  }
0x7e: {  	s28 =	simm.s32 $0x2880;
	s26 =	simm.s32 $0x400;
	[sflag:s17] =	ssyncadd.s32 $0xFFFFC000  }
.LBB2_6:
0x7f: {  	[spmem:s1] =	stream.indirect.scatter.add.f32 [tilespmem:s20], [sflag:$0x2], $0x80, s28, s19, $0xb8;
	[tilespmem:$0x1FC00] =	vst v63  }
0x80: {  	s28 =	smov.u32 s26  }
0x81: {  	p0 =	sne.s32 s26, $0x4C00;
	s26 =	sadd.s32 $0x400, s26;
	_ =	swait.ge [sflag:s22], $0x4000  }
0x82: {  	[sflag:s22] =	ssyncset.done $0x0  }
0x83: {  	s28 =	sshra.s32 s28, $0x2;
	[sflag:s22] =	ssyncadd.s32 $0xFFFFC000  }
0x84: {  	[tilespmem:s16], [sflag:$0x3] =	stream.indirect.gather [hbm4b:s4+s19], $0x80, s28, s19, $0xb8;
	[tilespmem:$0x1FC00] =	vst v63  }
0x85: {  	_ =	swait.ge [sflag:s17], $0x4000  }
0x86: {  	[sflag:s17] =	ssyncset.done $0x0  }
0x87: {  	s29 =	sadd.s32 $0x2800, s28;
	[sflag:s17] =	ssyncadd.s32 $0xFFFFC000  }
0x88: {  	[spmem:s1] =	stream.indirect.scatter.add.f32 [tilespmem:s16], [sflag:$0x1], $0x80, s29, s19, $0xb8;
	[tilespmem:$0x1FC00] =	vst v63  }
0x89: {  	_ =	swait.ge [sflag:s23], $0x4000  }
0x8a: {  	[sflag:s23] =	ssyncset.done $0x0  }
.Ltmp2:
0x8b: {  	s29 =	sadd.s32 $0x80, s28;
	[sflag:s23] =	ssyncadd.s32 $0xFFFFC000;
	(pc) =	sbr.rel @p0 .LBB2_6-.Ltmp2, $4  }
0x8c: {  	[tilespmem:s20], [sflag:$0x3] =	stream.indirect.gather [hbm4b:s4+s19], $0x80, s29, s19, $0xb8;
	[tilespmem:$0x1FC00] =	vst v63  }
0x8d: {  	_ =	swait.ge [sflag:s17], $0x4000  }
0x8e: {  	[sflag:s17] =	ssyncset.done $0x0  }
0x8f: {  	s28 =	sadd.s32 $0x2880, s28;
	[sflag:s17] =	ssyncadd.s32 $0xFFFFC000  }
0x90: {  	[spmem:s1] =	stream.indirect.scatter.add.f32 [tilespmem:s20], [sflag:$0x2], $0x80, s28, s19, $0xb8;
	[tilespmem:$0x1FC00] =	vst v63  }
0x91: {  	_ =	swait.ge [sflag:s22], $0x4000  }
0x92: {  	[sflag:s22] =	ssyncset.done $0x0  }
0x93: {  	[sflag:s22] =	ssyncadd.s32 $0xFFFFC000  }
0x94: {  	_ =	swait.ge [sflag:s23], $0x4000  }
0x95: {  	s26 =	sshll.u32 s2, $0x6;
	s25 =	sadd.s32 $0x1, s25;
	[sflag:s23] =	ssyncset.done $0x0  }
0x96: {  	s31 =	sshrl.u32 s5, $0x3;
	p0 =	sne.s32 s25, s15;
	[sflag:s23] =	ssyncadd.s32 $0xFFFFC000  }
.Ltmp3:
0x97: {  	s26 =	sor.u32 $0x1C03, s26;
	[bflag:$0x0] =	sbarrier.arrive $0xFFFF;
	(pc) =	sbr.rel @p0 .LBB2_1-.Ltmp3, $4  }
0x98: {  	[hbm:s14], [sflag:s26] =	dma.local [spmem:s31], $0x2800  }
0x99: {  	_ =	swait.ge [sflag:s17], $0x2800  }
0x9a: {  	[sflag:s17] =	ssyncset.done $0x0  }
0x9b: {  	[sflag:s17] =	ssyncadd.s32 $0xFFFFD800  }
0x9c: {  	_ =	sfence.sel $0x180000  }
0x9d: {  	[bflag:$0x0] =	sbarrier.arrive $0xFFFF  }
0x9e: {  	p0 =	sne.s32 s2, $0x0;
	_ =	strace $0x9000004A  }
0x9f: {  	s0 =	sadd.s32 @!p0 $0x100000, s0;
	[bflag:$0x2] =	sbarrier.arrive $0xFFFF  }
0xa0: {  	[sflag:s0] =	ssyncadd.tile.s32 @!p0 $0x1;
	_ =	shalt  }
.Lfunc_end2:
_tile_overlayer_lowered:
.L_overlay_start_2:
0xa1: {  	(tag) =	ssettag $0x2  }
0xa2: {  	s0 =	rddreg [dreg:$0x0];
	s2 =	stileid.u32  }
0xa3: {  	s1 =	rddreg [dreg:$0x1];
	p0 =	sne.s32 s2, $0x0  }
0xa4: {  	s3 =	rddreg [dreg:$0x2];
	[bflag:$0x3] =	sbarrier.arrive $0xFFFF;
	s2 =	simm.s32 @!p0 $0x1C03  }
0xa5: {  	[timem:s3], [sflag:s2] =	dma.local @!p0 [hbm:s0], s1  }
0xa6: {  	s0 =	simm.s32 @!p0 $0x3  }
0xa7: {  	_ =	swait.ge @!p0 [sflag:s0], s1  }
0xa8: {  	s1 =	ssub.s32 @!p0 $0x0, s1;
	[sflag:s0] =	ssyncset.done @!p0 $0x0  }
0xa9: {  	[sflag:s0] =	ssyncadd.s32 @!p0 s1  }
0xaa: {  	[bflag:$0x3] =	sbarrier.arrive $0xFFFF  }
0xab: {  	_ =	shalt  }

// kernel: kernel.9.cloned.1.call-start
scs
__scs_entry_jumppad:
0x0: {  	(pc) =	sbr.rel $0x88, $3  }
0x1: {  	(tag) =	ssettag $0x0;
	lr =	simm.s32 $0x1  }
0x2: {  	[smem:$0x3F96] =	sst lr;
	_ =	strace $0xD0000000  }
0x3: {  	_ = 	snop  }
0x4: {  	_ = 	snop  }
0x5: {  	_ = 	snop  }
0x6: {  	_ = 	snop  }
0x7: {  	_ = 	snop  }
__scs_overlays_trampoline_lowered:
0x8: {  	[smem:$0x3FA5] =	sst s0  }
0x9: {  	[smem:$0x3FA6] =	sst s1  }
0xa: {  	[smem:$0x3FA7] =	sst s2  }
0xb: {  	[smem:$0x3FA8] =	sst s3  }
0xc: {  	[smem:$0x3FA9] =	sst s4  }
0xd: {  	[smem:$0x3FAA] =	sst s5  }
0xe: {  	[smem:$0x3FAB] =	sst s6  }
0xf: {  	[smem:$0x3FAC] =	sst s7  }
0x10: {  	[smem:$0x3FAD] =	sst s8  }
0x11: {  	[smem:$0x3FAE] =	sst s9;
	s0 =	simm.s32 @!p0 $0x0  }
0x12: {  	s1 =	sld [smem:$0x3F94];
	s0 =	simm.s32 @p0 $0x1  }
0x13: {  	[smem:$0x3FAF] =	sst s0;
	s0 =	simm.s32 @!p1 $0x0  }
0x14: {  	s2 =	sld [smem:$0x3F93];
	s0 =	simm.s32 @p1 $0x1  }
0x15: {  	[smem:$0x3FB0] =	sst s0;
	s0 =	simm.s32 @!p2 $0x0  }
0x16: {  	s3 =	sld [smem:$0x3FDB];
	s0 =	simm.s32 @p2 $0x1  }
0x17: {  	s4 =	simm.s32 $0x1BF5;
	[smem:$0x3FB2] =	sst s0  }
0x18: {  	s0 =	sld [smem:$0x3F95];
	_ =	swait.ge [sflag:s4], $0x0  }
0x19: {  	s7 =	sld [smem:$0x3F96]  }
0x1a: {  	s8 =	sadd.s32 $0xFFFFE003, lr  }
0x1b: {  	s9 =	sadd.s32 $0xFFFFFEF7, lr;
	s5 =	simm.s32 $0xFFFFFFFF;
	p2 =	slt.u32 s8, $0xFFFFF086  }
0x1c: {  	p1 =	slt.u32 s9, $0xF7A;
	s5 =	simm.s32 @!p2 $0x0  }
0x1d: {  	s5 =	simm.s32 @p1 $0x1;
	p0 =	seq.s32 s7, s2  }
0x1e: {  	s7 =	smul.u32 @!p0 $0xF7A, s2;
	p2 =	seq.s32 @!p0 s5, $0x0  }
0x1f: {  	s9 =	smul.u32 $0xF7A, s1;
	s8 =	simm.s32 @!p0 $0x1BF5;
	p2 =	por !p2, p0  }
0x20: {  	[sflag:s8] =	ssyncset.s32 @!p0 $0xFFFFF086;
	s6 =	sadd.s32 @!p0 s3, s7;
	s7 =	simm.s32 @!p0 $0x108  }
0x21: {  	s3 =	sadd.s32 s3, s9;
	s6 =	sadd.s32 @!p0 $0x88, s6;
	s7 =	simm.s32 @p2 $0x1082  }
0x22: {  	[simem:s7], [sflag:s8] =	dma.local @!p0 [hbm:s6], $0xF7A  }
0x23: {  	s9 =	sor.u32 $0xD0000000, s2;
	s6 =	simm.s32 $0x108;
	_ =	swait.ge @!p0 [sflag:s8], $0x0  }
0x24: {  	s3 =	sadd.s32 $0x88, s3;
	s6 =	simm.s32 @!p1 $0x1082;
	[sflag:s4] =	ssyncset.s32 $0xFFFFF086  }
0x25: {  	[simem:s6], [sflag:s4] =	dma.local [hbm:s3], $0xF7A  }
0x26: {  	[smem:$0x3F96] =	sst s1;
	(tag) =	ssettag s2;
	_ =	strace s9  }
0x27: {  	s1 =	sld [smem:$0x3FA6]  }
0x28: {  	s2 =	sld [smem:$0x3FA7]  }
0x29: {  	s4 =	sld [smem:$0x3FA9]  }
0x2a: {  	p0 =	seq.s32 s5, $0x0;
	s5 =	sld [smem:$0x3FAA]  }
0x2b: {  	s6 =	sld [smem:$0x3FAB]  }
0x2c: {  	s7 =	sld [smem:$0x3FAC]  }
0x2d: {  	s3 =	simm.s32 $0x108;
	s8 =	sld [smem:$0x3FAD]  }
0x2e: {  	s3 =	simm.s32 @!p0 $0x1082;
	s9 =	sld [smem:$0x3FAE]  }
0x2f: {  	lr =	sadd.s32 s0, s3;
	s0 =	sld [smem:$0x3FA5]  }
0x30: {  	s3 =	sld [smem:$0x3FA8]  }
0x31: {  	[smem:$0x3FB1] =	sst s10  }
0x32: {  	s10 =	sld [smem:$0x3FAF];
	_ =	sdelay $0x3  }
0x33: {  	p0 =	seq.s32 s10, $0x1;
	s10 =	sld [smem:$0x3FB1];
	_ =	sdelay $0x3  }
0x34: {  	[smem:$0x3FB1] =	sst s10  }
0x35: {  	s10 =	sld [smem:$0x3FB0];
	_ =	sdelay $0x3  }
0x36: {  	p1 =	seq.s32 s10, $0x1;
	s10 =	sld [smem:$0x3FB1];
	_ =	sdelay $0x3  }
0x37: {  	[smem:$0x3FB1] =	sst s10  }
0x38: {  	s10 =	sld [smem:$0x3FB2]  }
0x39: {  	_ = 	snop;
	(pc) =	sbr.ind lr, $3  }
0x3a: {  	_ = 	snop  }
0x3b: {  	_ = 	snop  }
0x3c: {  	p2 =	seq.s32 s10, $0x1;
	s10 =	sld [smem:$0x3FB1]  }
0x3d: {  	_ =	shalt  }
0x3e: {  	_ =	shalt  }
0x3f: {  	_ =	shalt  }
0x40: {  	_ =	shalt  }
0x41: {  	_ =	shalt  }
0x42: {  	_ =	shalt  }
0x43: {  	_ =	shalt  }
0x44: {  	_ =	shalt  }
0x45: {  	_ =	shalt  }
0x46: {  	_ =	shalt  }
0x47: {  	_ =	shalt  }
0x48: {  	_ =	shalt  }
0x49: {  	_ =	shalt  }
0x4a: {  	_ =	shalt  }
0x4b: {  	_ =	shalt  }
0x4c: {  	_ =	shalt  }
0x4d: {  	_ =	shalt  }
0x4e: {  	_ =	shalt  }
0x4f: {  	_ =	shalt  }
0x50: {  	_ =	shalt  }
0x51: {  	_ =	shalt  }
0x52: {  	_ =	shalt  }
0x53: {  	_ =	shalt  }
0x54: {  	_ =	shalt  }
0x55: {  	_ =	shalt  }
0x56: {  	_ =	shalt  }
0x57: {  	_ =	shalt  }
0x58: {  	_ =	shalt  }
0x59: {  	_ =	shalt  }
0x5a: {  	_ =	shalt  }
0x5b: {  	_ =	shalt  }
0x5c: {  	_ =	shalt  }
0x5d: {  	_ =	shalt  }
0x5e: {  	_ =	shalt  }
0x5f: {  	_ =	shalt  }
0x60: {  	_ =	shalt  }
0x61: {  	_ =	shalt  }
0x62: {  	_ =	shalt  }
0x63: {  	_ =	shalt  }
0x64: {  	_ =	shalt  }
0x65: {  	_ =	shalt  }
0x66: {  	_ =	shalt  }
0x67: {  	_ =	shalt  }
0x68: {  	_ =	shalt  }
0x69: {  	_ =	shalt  }
0x6a: {  	_ =	shalt  }
0x6b: {  	_ =	shalt  }
0x6c: {  	_ =	shalt  }
0x6d: {  	_ =	shalt  }
0x6e: {  	_ =	shalt  }
0x6f: {  	_ =	shalt  }
0x70: {  	_ =	shalt  }
0x71: {  	_ =	shalt  }
0x72: {  	_ =	shalt  }
0x73: {  	_ =	shalt  }
0x74: {  	_ =	shalt  }
0x75: {  	_ =	shalt  }
0x76: {  	_ =	shalt  }
0x77: {  	_ =	shalt  }
0x78: {  	_ =	shalt  }
0x79: {  	_ =	shalt  }
0x7a: {  	_ =	shalt  }
0x7b: {  	_ =	shalt  }
0x7c: {  	_ =	shalt  }
0x7d: {  	_ =	shalt  }
0x7e: {  	_ =	shalt  }
0x7f: {  	_ =	shalt  }
0x80: {  	_ =	shalt  }
0x81: {  	_ =	shalt  }
0x82: {  	_ =	shalt  }
0x83: {  	_ =	shalt  }
0x84: {  	_ =	shalt  }
0x85: {  	_ =	shalt  }
0x86: {  	_ =	shalt  }
0x87: {  	_ =	shalt  }
.Lfunc_end0:
.L_simem_size_0:
called_computation_lowered:
.L_overlay_start_0:
0x88: {  	s2 =	sld [smem:$0x3FD9]  }
0x89: {  	s3 =	sld [smem:$0x3FFE];
	_ =	sdelay $0x1  }
0x8a: {  	s1 =	srdreg.scid  }
0x8b: {  	s0 =	sand.u32 $0x1, s1  }
0x8c: {  	s17 =	sshll.u32 s0, $0xA;
	s2 =	sadd.s32 s3, s2  }
0x8d: {  	s2 =	sadd.s32 s2, s17  }
0x8e: {  	[smem:$0x3FBD] =	sst s2  }
0x8f: {  	_ = 	snop  }
0x90: {  	s2 =	sld [smem:$0x3FD0];
	(tm) =	ssettm $0x1  }
0x91: {  	s18 =	sld [smem:$0x3FFB];
	_ =	sdelay $0x3  }
0x92: {  	_ =	strace s18  }
0x93: {  	s3 =	sld [smem:$0x3FFC];
	_ =	sdelay $0x3  }
0x94: {  	_ =	strace s3  }
0x95: {  	s3 =	sld [smem:$0x3FFD];
	_ =	sdelay $0x3  }
0x96: {  	_ =	strace s3  }
0x97: {  	_ =	strace $0x8FFFFFFF  }
0x98: {  	s19 =	sld [smem:$0x3FDB];
	_ =	sdelay $0x1  }
0x99: {  	s4 =	simm.s32 $_scs_section_size  }
0x9a: {  	s5 =	simm.s32 $_size__tile_overlayer_lowered;
	s6 =	simm.s32 $_tile_overlayer_lowered  }
0x9b: {  	s22 =	simm.s32 $0x1BFF;
	s21 =	sshll.u32 s6, $0x1;
	s3 =	sadd.s32 s4, s19  }
0x9c: {  	s7 =	simm.s32 $0x0;
	s20 =	sshll.u32 s5, $0x1;
	s5 =	sadd.s32 s21, s3  }
0x9d: {  	[timem:s7], [sflag:s22] =	dma.local [hbm:s5], s20  }
0x9e: {  	_ =	swait.ge [sflag:s22], s20  }
0x9f: {  	s4 =	ssub.s32 $0x0, s20;
	[sflag:s22] =	ssyncset.done $0x0  }
0xa0: {  	[sflag:s22] =	ssyncadd.s32 s4;
	_ =	sdelay $0x1  }
0xa1: {  	s23 =	simm.s32 $0x1B8B  }
0xa2: {  	_ =	swait.ge [sflag:s23], $0x1  }
0xa3: {  	[sflag:s23] =	ssyncset.done $0x0  }
0xa4: {  	s25 =	simm.s32 $0x1B8E;
	s24 =	sld [smem:$0x3FFE];
	[sflag:s23] =	ssyncadd.s32 $0xFFFFFFFF  }
0xa5: {  	s26 =	simm.s32 $execute0_lowered;
	[smem:$0x3FD2] =	sst s25  }
0xa6: {  	s5 =	sshll.u32 s26, $0x1;
	_ =	strace $0x80000046;
	[dreg:$0x1] =	wrdreg $0xFFFFFFFF  }
0xa7: {  	s28 =	simm.s32 $_size_execute0_lowered;
	s3 =	sadd.s32 s3, s5;
	[dreg:$0x0] =	wrdreg $0x0  }
0xa8: {  	s5 =	sshll.u32 s28, $0x1;
	[dreg:$0x2] =	wrdreg s3  }
0xa9: {  	[dreg:$0x3] =	wrdreg s5  }
0xaa: {  	[dreg:$0x4] =	wrdreg $0xC0  }
0xab: {  	_ =	task [dreg:s7], $0x5FFFF  }
0xac: {  	[dreg:$0x1] =	wrdreg $0xFFFFFFFF  }
0xad: {  	[dreg:$0x0] =	wrdreg $0x60  }
0xae: {  	[dreg:$0x2] =	wrdreg s24  }
0xaf: {  	[dreg:$0x3] =	wrdreg s2  }
0xb0: {  	[dreg:$0x4] =	wrdreg $0xBC000  }
0xb1: {  	[dreg:$0x5] =	wrdreg $0x9  }
0xb2: {  	_ =	task.clear_ibuf [dreg:s7], $0x6FFFF;
	_ =	strace $0x90000046  }
0xb3: {  	s29 =	simm.s32 $0x9;
	_ =	strace $0x80000048  }
0xb4: {  	_ =	swait.ge [sflag:s29], $0x1  }
0xb5: {  	[sflag:s29] =	ssyncadd.s32 $0xFFFFFFFF  }
0xb6: {  	_ =	strace $0x90000048  }
0xb7: {  	_ =	sfence  }
0xb8: {  	s30 =	sld [smem:$0x0];
	_ =	sdelay $0x2  }
0xb9: {  	s31 =	sshll.u32 s1, $0xD;
	s1 =	sshrl.u32 s1, $0x2  }
0xba: {  	s3 =	sand.u32 $0x4000, s31;
	s1 =	sadd.s32 s1, s30  }
0xbb: {  	s0 =	sor.u32 s3, s0;
	s1 =	sshll.u32 s1, $0x11  }
0xbc: {  	s0 =	sor.u32 s1, s0  }
0xbd: {  	s0 =	sadd.s32 $0x8F2B, s0  }
0xbe: {  	[sflag:s0] =	ssyncadd.remote.s32 $0x1  }
0xbf: {  	_ =	sfence.sel $0xFFFF  }
0xc0: {  	[dreg:$0x0] =	wrdreg $0xFFFFFFFF;
	(pc) =	sbr.abs _section_cstart, $3  }
0xc1: {  	[dreg:$0x1] =	wrdreg $0xFFFFFFFF  }
0xc2: {  	_ =	task.clear_ibuf [dreg:s7], $0x2FFFF;
	_ =	strace $0x9FFFFFFF  }
0xc3: {  	(tm) =	ssettm $0x7FFFFFFF  }
tec
execute0_lowered:
.L_overlay_start_1:
0x0: {  	(tag) =	ssettag $0x1  }
0x1: {  	s6 =	rddreg [dreg:$0x0]  }
0x2: {  	s12 =	rddreg [dreg:$0x1]  }
0x3: {  	s1 =	rddreg [dreg:$0x2]  }
0x4: {  	s2 =	srdreg.scid;
	s0 =	rddreg [dreg:$0x3];
	s3 =	simm.s32 $0x0  }
0x5: {  	s17 =	simm.s32 $0x3;
	s18 =	simm.s32 $0x1400;
	s19 =	simm.s32 $0x80  }
0x6: {  	s20 =	simm.s32 $0x7C00;
	s21 =	simm.s32 $0x1480;
	s22 =	simm.s32 $0x1  }
0x7: {  	s23 =	simm.s32 $0x2;
	s24 =	simm.s32 $0x2800;
	s5 =	sand.u32 $0x1, s2  }
0x8: {  	s25 =	simm.s32 $0x0;
	s2 =	stileid.u32;
	s7 =	smul.u32 $0x140000, s5  }
0x9: {  	[smem:$0x7FF] =	sst s3;
	s4 =	sadd.s32 $0xD200, s6;
	s8 =	smul.u32 $0x14000, s2  }
0xa: {  	s13 =	sadd.s32 $0x3200, s6;
	s29 =	smul.u32 $0x50000, s2;
	s9 =	sshll.u32 s2, $0x1  }
0xb: {  	_ =	strace $0x80000047;
	s10 =	ssub.s32 $0x2, s5;
	s9 =	sor.u32 s5, s9  }
0xc: {  	s31 =	sshrl.u32 s10, $0x1;
	s7 =	sadd.s32 s8, s7;
	s30 =	sshrl.u32 s29, $0x2  }
0xd: {  	s9 =	smul.u32 $0x2800, s9;
	s15 =	ssub.s32 s10, s31;
	s7 =	sshrl.u32 s7, $0x3  }
0xe: {  	s5 =	sadd.s32 s30, s1;
	s15 =	smax.u32 s15, $0x1;
	s14 =	sadd.s32 s7, s6  }
0xf: {  	s6 =	sadd.s32 $0x4000, s5;
	s7 =	sadd.s32 $0x8000, s5;
	s11 =	sshrl.u32 s9, $0x3  }
0x10: {  	s8 =	sadd.s32 $0xC000, s5;
	s9 =	sadd.s32 $0x10000, s5;
	s10 =	sadd.s32 s12, s11  }
0x11: {  	s16 =	sadd.s32 $0x280, s11;
	s11 =	sadd.s32 s13, s11;
	s14 =	sadd.s32 $0x35200, s14  }
0x12: {  	v0 =	vimm.f32 $0.0e+00;
	s12 =	sadd.s32 s12, s16;
	s13 =	sadd.s32 s13, s16;
	s16 =	simm.s32 $0x3C00  }
.LBB2_1:
0x13: {  	s26 =	sand.u32 $0xFE00, s3  }
0x14: {  	s28 =	sand.u32 $0x70, s3;
	s29 =	sshrl.u32 s26, $0x2  }
0x15: {  	s26 =	simm.s32 $0x40;
	s29 =	sor.u32 s28, s29;
	s28 =	simm.s32 $0x0  }
.LBB2_2:
0x16: {  	p0 =	sne.s32 s26, $0xFFC0  }
0x17: {  	[tilespmem:s29+$0x3C00] =	vst v0;
	s28 =	sadd.s32 $0x10, s28;
	s29 =	smov.u32 s26;
	s26 =	sadd.s32 $0x40, s26  }
.Ltmp0:
0x18: {  	(pc) =	sbr.rel @p0 .LBB2_2-.Ltmp0, $4  }
0x19: {  	_ = 	snop  }
0x1a: {  	s29 =	sand.u32 $0xFE00, s29  }
0x1b: {  	s30 =	sand.u32 $0x70, s28;
	s29 =	sshrl.u32 s29, $0x2  }
0x1c: {  	s29 =	sor.u32 s30, s29  }
0x1d: {  	[tilespmem:s29+$0x3C00] =	vst v0  }
0x1e: {  	[spmem:s5] =	stream.linear.scatter [tilespmem:s16], [sflag:$0x3], $0x4000, $0x38;
	[tilespmem:$0x1FC00] =	vst v63  }
0x1f: {  	_ =	swait.ge [sflag:s17], $0x4000  }
0x20: {  	[sflag:s17] =	ssyncset.done $0x0  }
0x21: {  	[sflag:s17] =	ssyncadd.s32 $0xFFFFC000  }
0x22: {  	[spmem:s6] =	stream.linear.scatter [tilespmem:s16], [sflag:$0x3], $0x4000, $0x38;
	[tilespmem:$0x1FC00] =	vst v63  }
0x23: {  	_ =	swait.ge [sflag:s17], $0x4000  }
0x24: {  	[sflag:s17] =	ssyncset.done $0x0  }
0x25: {  	[sflag:s17] =	ssyncadd.s32 $0xFFFFC000  }
0x26: {  	[spmem:s7] =	stream.linear.scatter [tilespmem:s16], [sflag:$0x3], $0x4000, $0x38;
	[tilespmem:$0x1FC00] =	vst v63  }
0x27: {  	_ =	swait.ge [sflag:s17], $0x4000  }
0x28: {  	[sflag:s17] =	ssyncset.done $0x0  }
0x29: {  	[sflag:s17] =	ssyncadd.s32 $0xFFFFC000  }
0x2a: {  	[spmem:s8] =	stream.linear.scatter [tilespmem:s16], [sflag:$0x3], $0x4000, $0x38;
	[tilespmem:$0x1FC00] =	vst v63  }
0x2b: {  	_ =	swait.ge [sflag:s17], $0x4000  }
0x2c: {  	[sflag:s17] =	ssyncset.done $0x0  }
0x2d: {  	[sflag:s17] =	ssyncadd.s32 $0xFFFFC000  }
0x2e: {  	[spmem:s9] =	stream.linear.scatter [tilespmem:s16], [sflag:$0x3], $0x4000, $0x38;
	[tilespmem:$0x1FC00] =	vst v63  }
0x2f: {  	_ =	swait.ge [sflag:s17], $0x4000  }
0x30: {  	[sflag:s17] =	ssyncset.done $0x0  }
0x31: {  	[sflag:s17] =	ssyncadd.s32 $0xFFFFC000  }
0x32: {  	[bflag:$0x0] =	sbarrier.arrive $0xFFFF  }
0x33: {  	[tilespmem:s3], [sflag:$0x3] =	stream.linear.gather [hbm4b:s10+s3], $0x1400, $0x38;
	[tilespmem:$0x1FC00] =	vst v63  }
0x34: {  	_ =	swait.ge [sflag:s17], $0x1400  }
0x35: {  	[sflag:s17] =	ssyncset.done $0x0  }
0x36: {  	[sflag:s17] =	ssyncadd.s32 $0xFFFFEC00  }
0x37: {  	[tilespmem:s18], [sflag:$0x3] =	stream.linear.gather [hbm4b:s11+s3], $0x1400, $0x38;
	[tilespmem:$0x1FC00] =	vst v63  }
0x38: {  	_ =	swait.ge [sflag:s17], $0x1400  }
0x39: {  	[sflag:s17] =	ssyncset.done $0x0  }
0x3a: {  	[sflag:s17] =	ssyncadd.s32 $0xFFFFEC00  }
0x3b: {  	[tilespmem:s16], [sflag:$0x3] =	stream.indirect.gather [hbm4b:s4+s19], $0x80, s3, s19, $0xb8;
	[tilespmem:$0x1FC00] =	vst v63  }
0x3c: {  	_ =	swait.ge [sflag:s17], $0x4000  }
0x3d: {  	[sflag:s17] =	ssyncset.done $0x0  }
0x3e: {  	[sflag:s17] =	ssyncadd.s32 $0xFFFFC000  }
0x3f: {  	[spmem:s1] =	stream.indirect.scatter.add.f32 [tilespmem:s16], [sflag:$0x1], $0x80, s18, s19, $0xb8;
	[tilespmem:$0x1FC00] =	vst v63  }
0x40: {  	_ = 	snop  }
0x41: {  	[tilespmem:s20], [sflag:$0x3] =	stream.indirect.gather [hbm4b:s4+s19], $0x80, s19, s19, $0xb8;
	[tilespmem:$0x1FC00] =	vst v63  }
0x42: {  	_ =	swait.ge [sflag:s17], $0x4000  }
0x43: {  	[sflag:s17] =	ssyncset.done $0x0  }
0x44: {  	[sflag:s17] =	ssyncadd.s32 $0xFFFFC000  }
0x45: {  	[spmem:s1] =	stream.indirect.scatter.add.f32 [tilespmem:s20], [sflag:$0x2], $0x80, s21, s19, $0xb8;
	[tilespmem:$0x1FC00] =	vst v63  }
0x46: {  	_ =	swait.ge [sflag:s22], $0x4000  }
0x47: {  	[sflag:s22] =	ssyncset.done $0x0  }
0x48: {  	s26 =	simm.s32 $0x100;
	[sflag:s22] =	ssyncadd.s32 $0xFFFFC000  }
0x49: {  	[tilespmem:s16], [sflag:$0x3] =	stream.indirect.gather [hbm4b:s4+s19], $0x80, s26, s19, $0xb8;
	[tilespmem:$0x1FC00] =	vst v63  }
0x4a: {  	_ =	swait.ge [sflag:s17], $0x4000  }
0x4b: {  	[sflag:s17] =	ssyncset.done $0x0  }
0x4c: {  	s30 =	simm.s32 $0x1500;
	[sflag:s17] =	ssyncadd.s32 $0xFFFFC000  }
0x4d: {  	[spmem:s1] =	stream.indirect.scatter.add.f32 [tilespmem:s16], [sflag:$0x1], $0x80, s30, s19, $0xb8;
	[tilespmem:$0x1FC00] =	vst v63  }
0x4e: {  	_ =	swait.ge [sflag:s23], $0x4000  }
0x4f: {  	[sflag:s23] =	ssyncset.done $0x0  }
0x50: {  	s31 =	simm.s32 $0x180;
	[sflag:s23] =	ssyncadd.s32 $0xFFFFC000  }
0x51: {  	[tilespmem:s20], [sflag:$0x3] =	stream.indirect.gather [hbm4b:s4+s19], $0x80, s31, s19, $0xb8;
	[tilespmem:$0x1FC00] =	vst v63  }
0x52: {  	_ =	swait.ge [sflag:s17], $0x4000  }
0x53: {  	[sflag:s17] =	ssyncset.done $0x0  }
0x54: {  	s28 =	simm.s32 $0x1580;
	s26 =	simm.s32 $0xFFFFB800;
	[sflag:s17] =	ssyncadd.s32 $0xFFFFC000  }
.LBB2_4:
0x55: {  	[spmem:s1] =	stream.indirect.scatter.add.f32 [tilespmem:s20], [sflag:$0x2], $0x80, s28, s19, $0xb8;
	[tilespmem:$0x1FC00] =	vst v63  }
0x56: {  	s28 =	smov.u32 s26  }
0x57: {  	p0 =	sne.s32 s26, $0xFFFFFC00;
	s26 =	sadd.s32 $0x400, s26;
	_ =	swait.ge [sflag:s22], $0x4000  }
0x58: {  	s28 =	sshra.s32 s28, $0x2;
	[sflag:s22] =	ssyncset.done $0x0  }
0x59: {  	s29 =	sadd.s32 $0x1400, s28;
	[sflag:s22] =	ssyncadd.s32 $0xFFFFC000  }
0x5a: {  	[tilespmem:s16], [sflag:$0x3] =	stream.indirect.gather [hbm4b:s4+s19], $0x80, s29, s19, $0xb8;
	[tilespmem:$0x1FC00] =	vst v63  }
0x5b: {  	_ =	swait.ge [sflag:s17], $0x4000  }
0x5c: {  	[sflag:s17] =	ssyncset.done $0x0  }
0x5d: {  	s29 =	sadd.s32 $0x2800, s28;
	[sflag:s17] =	ssyncadd.s32 $0xFFFFC000  }
0x5e: {  	[spmem:s1] =	stream.indirect.scatter.add.f32 [tilespmem:s16], [sflag:$0x1], $0x80, s29, s19, $0xb8;
	[tilespmem:$0x1FC00] =	vst v63  }
0x5f: {  	_ =	swait.ge [sflag:s23], $0x4000  }
0x60: {  	[sflag:s23] =	ssyncset.done $0x0  }
.Ltmp1:
0x61: {  	s29 =	sadd.s32 $0x1480, s28;
	[sflag:s23] =	ssyncadd.s32 $0xFFFFC000;
	(pc) =	sbr.rel @p0 .LBB2_4-.Ltmp1, $4  }
0x62: {  	[tilespmem:s20], [sflag:$0x3] =	stream.indirect.gather [hbm4b:s4+s19], $0x80, s29, s19, $0xb8;
	[tilespmem:$0x1FC00] =	vst v63  }
0x63: {  	_ =	swait.ge [sflag:s17], $0x4000  }
0x64: {  	[sflag:s17] =	ssyncset.done $0x0  }
0x65: {  	s28 =	sadd.s32 $0x2880, s28;
	[sflag:s17] =	ssyncadd.s32 $0xFFFFC000  }
0x66: {  	[spmem:s1] =	stream.indirect.scatter.add.f32 [tilespmem:s20], [sflag:$0x2], $0x80, s28, s19, $0xb8;
	[tilespmem:$0x1FC00] =	vst v63  }
0x67: {  	s26 =	simm.s32 $0x0  }
0x68: {  	[tilespmem:s26], [sflag:$0x3] =	stream.linear.gather [hbm4b:s12+s26], $0x1400, $0x38;
	[tilespmem:$0x1FC00] =	vst v63  }
0x69: {  	_ =	swait.ge [sflag:s17], $0x1400  }
0x6a: {  	[sflag:s17] =	ssyncset.done $0x0  }
0x6b: {  	[sflag:s17] =	ssyncadd.s32 $0xFFFFEC00  }
0x6c: {  	[tilespmem:s24], [sflag:$0x3] =	stream.linear.gather [hbm4b:s13+s26], $0x1400, $0x38;
	[tilespmem:$0x1FC00] =	vst v63  }
0x6d: {  	_ =	swait.ge [sflag:s17], $0x1400  }
0x6e: {  	[sflag:s17] =	ssyncset.done $0x0  }
0x6f: {  	[sflag:s17] =	ssyncadd.s32 $0xFFFFEC00  }
0x70: {  	_ =	swait.ge [sflag:s22], $0x4000  }
0x71: {  	[sflag:s22] =	ssyncset.done $0x0  }
0x72: {  	s29 =	simm.s32 $0x0;
	[sflag:s22] =	ssyncadd.s32 $0xFFFFC000  }
0x73: {  	[tilespmem:s16], [sflag:$0x3] =	stream.indirect.gather [hbm4b:s4+s19], $0x80, s29, s19, $0xb8;
	[tilespmem:$0x1FC00] =	vst v63  }
0x74: {  	_ =	swait.ge [sflag:s17], $0x4000  }
0x75: {  	[sflag:s17] =	ssyncset.done $0x0  }
0x76: {  	s30 =	simm.s32 $0x2800;
	[sflag:s17] =	ssyncadd.s32 $0xFFFFC000  }
0x77: {  	[spmem:s1] =	stream.indirect.scatter.add.f32 [tilespmem:s16], [sflag:$0x1], $0x80, s30, s19, $0xb8;
	[tilespmem:$0x1FC00] =	vst v63  }
0x78: {  	_ =	swait.ge [sflag:s23], $0x4000  }
0x79: {  	[sflag:s23] =	ssyncset.done $0x0  }
0x7a: {  	s31 =	simm.s32 $0x80;
	[sflag:s23] =	ssyncadd.s32 $0xFFFFC000  }
0x7b: {  	[tilespmem:s20], [sflag:$0x3] =	stream.indirect.gather [hbm4b:s4+s19], $0x80, s31, s19, $0xb8;
	[tilespmem:$0x1FC00] =	vst v63  }
0x7c: {  	_ =	swait.ge [sflag:s17], $0x4000  }
0x7d: {  	[sflag:s17] =	ssyncset.done $0x0  }
0x7e: {  	s28 =	simm.s32 $0x2880;
	s26 =	simm.s32 $0x400;
	[sflag:s17] =	ssyncadd.s32 $0xFFFFC000  }
.LBB2_6:
0x7f: {  	[spmem:s1] =	stream.indirect.scatter.add.f32 [tilespmem:s20], [sflag:$0x2], $0x80, s28, s19, $0xb8;
	[tilespmem:$0x1FC00] =	vst v63  }
0x80: {  	s28 =	smov.u32 s26  }
0x81: {  	p0 =	sne.s32 s26, $0x4C00;
	s26 =	sadd.s32 $0x400, s26;
	_ =	swait.ge [sflag:s22], $0x4000  }
0x82: {  	[sflag:s22] =	ssyncset.done $0x0  }
0x83: {  	s28 =	sshra.s32 s28, $0x2;
	[sflag:s22] =	ssyncadd.s32 $0xFFFFC000  }
0x84: {  	[tilespmem:s16], [sflag:$0x3] =	stream.indirect.gather [hbm4b:s4+s19], $0x80, s28, s19, $0xb8;
	[tilespmem:$0x1FC00] =	vst v63  }
0x85: {  	_ =	swait.ge [sflag:s17], $0x4000  }
0x86: {  	[sflag:s17] =	ssyncset.done $0x0  }
0x87: {  	s29 =	sadd.s32 $0x2800, s28;
	[sflag:s17] =	ssyncadd.s32 $0xFFFFC000  }
0x88: {  	[spmem:s1] =	stream.indirect.scatter.add.f32 [tilespmem:s16], [sflag:$0x1], $0x80, s29, s19, $0xb8;
	[tilespmem:$0x1FC00] =	vst v63  }
0x89: {  	_ =	swait.ge [sflag:s23], $0x4000  }
0x8a: {  	[sflag:s23] =	ssyncset.done $0x0  }
.Ltmp2:
0x8b: {  	s29 =	sadd.s32 $0x80, s28;
	[sflag:s23] =	ssyncadd.s32 $0xFFFFC000;
	(pc) =	sbr.rel @p0 .LBB2_6-.Ltmp2, $4  }
0x8c: {  	[tilespmem:s20], [sflag:$0x3] =	stream.indirect.gather [hbm4b:s4+s19], $0x80, s29, s19, $0xb8;
	[tilespmem:$0x1FC00] =	vst v63  }
0x8d: {  	_ =	swait.ge [sflag:s17], $0x4000  }
0x8e: {  	[sflag:s17] =	ssyncset.done $0x0  }
0x8f: {  	s28 =	sadd.s32 $0x2880, s28;
	[sflag:s17] =	ssyncadd.s32 $0xFFFFC000  }
0x90: {  	[spmem:s1] =	stream.indirect.scatter.add.f32 [tilespmem:s20], [sflag:$0x2], $0x80, s28, s19, $0xb8;
	[tilespmem:$0x1FC00] =	vst v63  }
0x91: {  	_ =	swait.ge [sflag:s22], $0x4000  }
0x92: {  	[sflag:s22] =	ssyncset.done $0x0  }
0x93: {  	[sflag:s22] =	ssyncadd.s32 $0xFFFFC000  }
0x94: {  	_ =	swait.ge [sflag:s23], $0x4000  }
0x95: {  	s26 =	sshll.u32 s2, $0x6;
	s25 =	sadd.s32 $0x1, s25;
	[sflag:s23] =	ssyncset.done $0x0  }
0x96: {  	s31 =	sshrl.u32 s5, $0x3;
	p0 =	sne.s32 s25, s15;
	[sflag:s23] =	ssyncadd.s32 $0xFFFFC000  }
.Ltmp3:
0x97: {  	s26 =	sor.u32 $0x1C03, s26;
	[bflag:$0x0] =	sbarrier.arrive $0xFFFF;
	(pc) =	sbr.rel @p0 .LBB2_1-.Ltmp3, $4  }
0x98: {  	[hbm:s14], [sflag:s26] =	dma.local [spmem:s31], $0x2800  }
0x99: {  	_ =	swait.ge [sflag:s17], $0x2800  }
0x9a: {  	[sflag:s17] =	ssyncset.done $0x0  }
0x9b: {  	[sflag:s17] =	ssyncadd.s32 $0xFFFFD800  }
0x9c: {  	_ =	sfence.sel $0x180000  }
0x9d: {  	[bflag:$0x0] =	sbarrier.arrive $0xFFFF  }
0x9e: {  	p0 =	sne.s32 s2, $0x0;
	_ =	strace $0x90000047  }
0x9f: {  	s0 =	sadd.s32 @!p0 $0x100000, s0;
	[bflag:$0x2] =	sbarrier.arrive $0xFFFF  }
0xa0: {  	[sflag:s0] =	ssyncadd.tile.s32 @!p0 $0x1;
	_ =	shalt  }
.Lfunc_end2:
_tile_overlayer_lowered:
.L_overlay_start_2:
0xa1: {  	(tag) =	ssettag $0x2  }
0xa2: {  	s0 =	rddreg [dreg:$0x0];
	s2 =	stileid.u32  }
0xa3: {  	s1 =	rddreg [dreg:$0x1];
	p0 =	sne.s32 s2, $0x0  }
0xa4: {  	s3 =	rddreg [dreg:$0x2];
	[bflag:$0x3] =	sbarrier.arrive $0xFFFF;
	s2 =	simm.s32 @!p0 $0x1C03  }
0xa5: {  	[timem:s3], [sflag:s2] =	dma.local @!p0 [hbm:s0], s1  }
0xa6: {  	s0 =	simm.s32 @!p0 $0x3  }
0xa7: {  	_ =	swait.ge @!p0 [sflag:s0], s1  }
0xa8: {  	s1 =	ssub.s32 @!p0 $0x0, s1;
	[sflag:s0] =	ssyncset.done @!p0 $0x0  }
0xa9: {  	[sflag:s0] =	ssyncadd.s32 @!p0 s1  }
0xaa: {  	[bflag:$0x3] =	sbarrier.arrive $0xFFFF  }
0xab: {  	_ =	shalt  }

</sc_bundles>
